<compile_context>
chip_gen: v7x
topology: tpu7x:2x2x1
jax: 0.10.2.dev20260603
libtpu: 0.0.44.dev20260713+nightly
codegen_flags: <defaults>
</compile_context>

<pallas_src>
import functools

import jax
import jax.numpy as jnp
from jax import lax
from jax.experimental import pallas as pl
from jax.experimental.pallas import tpu as pltpu
from jax.experimental.pallas import tpu_sc as plsc

B, N, C = 4, 32768, 64
M = B * N
H = M // 2
NC, NS = 2, 16
NW = NC * NS
RPW = M // NW
F = 128
CHUNKS = RPW // F
BN = 2048
NJ = N // BN
BR = 4096
KB = H // BR
NR = N // BR
BN2 = 4096
NJ2 = N // BN2


def _make_sc_gather_max():
    mesh = plsc.VectorSubcoreMesh(core_axis_name="c", subcore_axis_name="s")

    row_buf = pltpu.VMEM((F, C), jnp.float32)

    @functools.partial(
        pl.kernel,
        mesh=mesh,
        out_type=jax.ShapeDtypeStruct((H, 2 * C), jnp.float32),
        compiler_params=pltpu.CompilerParams(use_tc_tiling_on_sc=False,
                                             needs_layout_passes=False),
        scratch_types=[
            pltpu.VMEM((RPW,), jnp.int32),
            pltpu.VMEM((RPW,), jnp.int32),
            pltpu.VMEM((RPW,), jnp.int32),
            row_buf, row_buf, row_buf, row_buf,
            row_buf, row_buf, row_buf, row_buf,
            pltpu.SemaphoreType.DMA,
            pltpu.SemaphoreType.DMA,
            pltpu.SemaphoreType.DMA,
        ],
    )
    def sc_gather_max(table_hbm, nbr0_hbm, nbr1_hbm, nbr2_hbm, out_hbm,
                      idx0, idx1, idx2,
                      g0a, g1a, g2a, acca,
                      g0b, g1b, g2b, accb,
                      sema, semb, wsem):
        wid = lax.axis_index("s") * NC + lax.axis_index("c")
        wbase = wid * RPW
        half = wid // (NW // 2)
        rbase = wbase - half * H
        cofs = half * C
        bufs = ((g0a, g1a, g2a, acca, sema), (g0b, g1b, g2b, accb, semb))

        pltpu.sync_copy(nbr0_hbm.at[pl.ds(wbase, RPW)], idx0)
        pltpu.sync_copy(nbr1_hbm.at[pl.ds(wbase, RPW)], idx1)
        pltpu.sync_copy(nbr2_hbm.at[pl.ds(wbase, RPW)], idx2)

        def issue(g, s):
            g0, g1, g2, acc, sem = bufs[s]
            sl = pl.ds(g * F, F)
            pltpu.async_copy(table_hbm.at[idx0.at[sl]], g0, sem)
            pltpu.async_copy(table_hbm.at[idx1.at[sl]], g1, sem)
            pltpu.async_copy(table_hbm.at[idx2.at[sl]], g2, sem)
            pltpu.async_copy(table_hbm.at[pl.ds(wbase + g * F, F)], acc, sem)

        def drain(s):
            g0, g1, g2, acc, sem = bufs[s]
            for dst in (g0, g1, g2, acc):
                pltpu.make_async_copy(table_hbm.at[pl.ds(0, F)], dst, sem).wait()

        def compute(s):
            g0, g1, g2, acc, _ = bufs[s]

            def row_body(r, rc):
                for c in range(C // 16):
                    sl = pl.ds(c * 16, 16)
                    m01 = jnp.maximum(g0[r, sl], g1[r, sl])
                    m23 = jnp.maximum(g2[r, sl], acc[r, sl])
                    acc[r, sl] = jnp.maximum(m01, m23)
                return rc

            lax.fori_loop(0, F, row_body, 0, unroll=2)

        def writeback(g, s):
            acc = bufs[s][3]
            pltpu.async_copy(
                acc, out_hbm.at[pl.ds(rbase + g * F, F), pl.ds(cofs, C)], wsem)

        def wb_wait():
            pltpu.make_async_copy(
                acca, out_hbm.at[pl.ds(0, F), pl.ds(0, C)], wsem).wait()

        issue(0, 0)

        def pair_body(p, carry):
            for s in range(2):
                g = 2 * p + s

                @pl.when(g >= 1)
                def _():
                    wb_wait()

                @pl.when(g + 1 < CHUNKS)
                def _():
                    issue(g + 1, 1 - s)

                drain(s)
                compute(s)
                writeback(g, s)
            return carry

        lax.fori_loop(0, CHUNKS // 2, pair_body, 0)
        wb_wait()

    return sc_gather_max


_SC_CACHE = []


def _sc_gather_max(table, nbr0, nbr1, nbr2):
    if not _SC_CACHE:
        _SC_CACHE.append(_make_sc_gather_max())
    return _SC_CACHE[0](table, nbr0, nbr1, nbr2)


def _tc_pass1a_body(sp_ref, st_ref, w1s_ref, w1t_ref, y1_ref, stats_ref):
    b = pl.program_id(0)
    j = pl.program_id(1)
    y1 = (jnp.dot(w1s_ref[...], sp_ref[0], preferred_element_type=jnp.float32)
          + jnp.dot(w1t_ref[...], st_ref[0], preferred_element_type=jnp.float32))
    y1_ref[0] = y1.astype(jnp.bfloat16)
    blk = jnp.stack([jnp.sum(y1, axis=1), jnp.sum(y1 * y1, axis=1)])

    @pl.when((b == 0) & (j == 0))
    def _():
        stats_ref[...] = jnp.zeros_like(stats_ref)

    stats_ref[...] += blk


def _tc_pass1b_body(smax_ref, w2e_ref, w2o_ref, y2_ref, stats_ref):
    k = pl.program_id(0)
    x = smax_ref[...]
    y2a = lax.dot_general(w2e_ref[...], x,
                          dimension_numbers=(((1,), (1,)), ((), ())),
                          preferred_element_type=jnp.float32)
    y2b = lax.dot_general(w2o_ref[...], x,
                          dimension_numbers=(((1,), (1,)), ((), ())),
                          preferred_element_type=jnp.float32)
    y2_ref[0, 0] = y2a.astype(jnp.bfloat16)
    y2_ref[1, 0] = y2b.astype(jnp.bfloat16)
    blk = jnp.stack([jnp.sum(y2a, axis=1) + jnp.sum(y2b, axis=1),
                     jnp.sum(y2a * y2a, axis=1) + jnp.sum(y2b * y2b, axis=1)])

    @pl.when(k == 0)
    def _():
        stats_ref[...] = jnp.zeros_like(stats_ref)

    stats_ref[...] += blk


def _tc_pass2_body(y1_ref, y2_ref, prm_ref, sp_out_ref, st_out_ref):
    sc1 = prm_ref[0, :]
    sh1 = prm_ref[1, :]
    sc2 = prm_ref[2, :]
    sh2 = prm_ref[3, :]
    y1 = y1_ref[0].astype(jnp.float32)
    y2 = y2_ref[0, 0].astype(jnp.float32)
    sp_out_ref[0] = jnp.maximum(y1 * sc1[:, None] + sh1[:, None], 0.0)
    st_out_ref[0] = jnp.maximum(y2 * sc2[:, None] + sh2[:, None], 0.0)


def _chan_blocks(bshape):
    return pl.BlockSpec(bshape, lambda b, j: (b, 0, j))


def _full_block(shape):
    return pl.BlockSpec(shape, lambda b, j: tuple(0 for _ in shape))


_tc_pass1a = pl.pallas_call(
    _tc_pass1a_body,
    grid=(B, NJ2),
    in_specs=[
        _chan_blocks((1, C, BN2)),
        _chan_blocks((1, C, BN2)),
        _full_block((C, C)),
        _full_block((C, C)),
    ],
    out_specs=[
        _chan_blocks((1, C, BN2)),
        _full_block((2, C)),
    ],
    out_shape=[
        jax.ShapeDtypeStruct((B, C, N), jnp.bfloat16),
        jax.ShapeDtypeStruct((2, C), jnp.float32),
    ],
)

_tc_pass1b = pl.pallas_call(
    _tc_pass1b_body,
    grid=(KB,),
    in_specs=[
        pl.BlockSpec((BR, 2 * C), lambda k: (k, 0)),
        pl.BlockSpec((C, 2 * C), lambda k: (0, 0)),
        pl.BlockSpec((C, 2 * C), lambda k: (0, 0)),
    ],
    out_specs=[
        pl.BlockSpec((2, 1, C, BR), lambda k: (0, k // NR, 0, k % NR)),
        pl.BlockSpec((2, C), lambda k: (0, 0)),
    ],
    out_shape=[
        jax.ShapeDtypeStruct((2, 2, C, N), jnp.bfloat16),
        jax.ShapeDtypeStruct((2, C), jnp.float32),
    ],
)

_tc_pass2 = pl.pallas_call(
    _tc_pass2_body,
    grid=(B, NJ2),
    in_specs=[
        _chan_blocks((1, C, BN2)),
        pl.BlockSpec((1, 1, C, BN2), lambda b, j: (b // 2, b % 2, 0, j)),
        _full_block((4, C)),
    ],
    out_specs=[
        _chan_blocks((1, C, BN2)),
        _chan_blocks((1, C, BN2)),
    ],
    out_shape=[
        jax.ShapeDtypeStruct((B, C, N), jnp.float32),
        jax.ShapeDtypeStruct((B, C, N), jnp.float32),
    ],
)


def kernel(spatial_fea, structural_fea, neighbor_index,
           W_comb, b_comb, g_comb, be_comb,
           W_agg, b_agg, g_agg, be_agg):
    table = structural_fea.transpose(0, 2, 1).reshape(M, C)
    offs = (jnp.arange(B, dtype=jnp.int32) * N)[:, None]
    n0 = (neighbor_index[:, :, 0] + offs).reshape(M)
    n1 = (neighbor_index[:, :, 1] + offs).reshape(M)
    n2 = (neighbor_index[:, :, 2] + offs).reshape(M)

    smax = _sc_gather_max(table, n0, n1, n2)

    w1s = W_comb[:, :C]
    w1t = W_comb[:, C:]
    zeros = jnp.zeros((C, C), jnp.float32)
    w2e = jnp.concatenate([W_agg, zeros], axis=1)
    w2o = jnp.concatenate([zeros, W_agg], axis=1)
    y1, stats1 = _tc_pass1a(spatial_fea, structural_fea, w1s, w1t)
    y2, stats2 = _tc_pass1b(smax, w2e, w2o)

    inv_m = 1.0 / M
    mean1 = stats1[0] * inv_m
    var1 = stats1[1] * inv_m - mean1 * mean1
    mean2 = stats2[0] * inv_m
    var2 = stats2[1] * inv_m - mean2 * mean2
    sc1 = g_comb * lax.rsqrt(var1 + 1e-5)
    sh1 = be_comb - sc1 * mean1
    sc2 = g_agg * lax.rsqrt(var2 + 1e-5)
    sh2 = be_agg - sc2 * mean2
    prm = jnp.stack([sc1, sh1, sc2, sh2])

    sp_out, st_out = _tc_pass2(y1, y2, prm)
    return (sp_out, st_out)

# --- scband reference (transcript-rebuilt; emitter-appended) ---
"""Pipeline reference for scband-mesh-convolution-34325378630097 (READ-ONLY COPY).

The authoritative reference and input builder live on the scoring server;
editing this copy changes nothing except your own understanding.
"""

import jax, jax.numpy as jnp
import numpy as np

B, N = 4, 32768
C_SP_IN, C_ST_IN, C_SP_OUT, C_ST_OUT = 64, 64, 64, 64


def _batchnorm(x, gamma, beta, eps=1e-5):
    # BatchNorm1d in training mode: stats over (batch, spatial) per channel
    mean = jnp.mean(x, axis=(0, 2), keepdims=True)
    var = jnp.var(x, axis=(0, 2), keepdims=True)
    xh = (x - mean) / jnp.sqrt(var + eps)
    return gamma[None, :, None] * xh + beta[None, :, None]


def setup_inputs(seed: int = 0) -> dict:
    key = jax.random.key(seed)
    ks = jax.random.split(key, 8)
    spatial_fea = jax.random.normal(ks[0], (B, C_SP_IN, N), dtype=jnp.float32)
    structural_fea = jax.random.normal(ks[1], (B, C_ST_IN, N), dtype=jnp.float32)
    neighbor_index = jax.random.randint(ks[2], (B, N, 3), 0, N, dtype=jnp.int32)
    W_comb = 0.05 * jax.random.normal(ks[3], (C_SP_OUT, C_SP_IN + C_ST_IN), dtype=jnp.float32)
    b_comb = jnp.zeros((C_SP_OUT,), dtype=jnp.float32)
    g_comb = jnp.ones((C_SP_OUT,), dtype=jnp.float32)
    be_comb = jnp.zeros((C_SP_OUT,), dtype=jnp.float32)
    W_agg = 0.05 * jax.random.normal(ks[4], (C_ST_OUT, C_ST_IN), dtype=jnp.float32)
    b_agg = jnp.zeros((C_ST_OUT,), dtype=jnp.float32)
    g_agg = jnp.ones((C_ST_OUT,), dtype=jnp.float32)
    be_agg = jnp.zeros((C_ST_OUT,), dtype=jnp.float32)
    return {
        "spatial_fea": spatial_fea,
        "structural_fea": structural_fea,
        "neighbor_index": neighbor_index,
        "W_comb": W_comb, "b_comb": b_comb, "g_comb": g_comb, "be_comb": be_comb,
        "W_agg": W_agg, "b_agg": b_agg, "g_agg": g_agg, "be_agg": be_agg,
    }


def reference(spatial_fea, structural_fea, neighbor_index,
              W_comb, b_comb, g_comb, be_comb,
              W_agg, b_agg, g_agg, be_agg):
    # combination_mlp: Conv1d(k=1) -> BN -> ReLU on cat([spatial, structural], ch)
    x = jnp.concatenate([spatial_fea, structural_fea], axis=1)
    sp = jnp.einsum('oc,bcn->bon', W_comb, x) + b_comb[None, :, None]
    sp = jax.nn.relu(_batchnorm(sp, g_comb, be_comb))

    # Max aggregation: gather 3 neighbor features per face, concat self, max over 4
    gathered = jax.vmap(lambda s, idx: s[:, idx])(structural_fea, neighbor_index)  # [B,C,N,3]
    st = jnp.concatenate([structural_fea[:, :, :, None], gathered], axis=3)  # [B,C,N,4]
    st = jnp.max(st, axis=3)

    # aggregation_mlp: Conv1d(k=1) -> BN -> ReLU
    st = jnp.einsum('oc,bcn->bon', W_agg, st) + b_agg[None, :, None]
    st = jax.nn.relu(_batchnorm(st, g_agg, be_agg))
    return (sp, st)

if __name__ == "__main__":
    import jax
    _d = setup_inputs()
    print(jax.jit(kernel)(*tuple(_d.values())))

</pallas_src>

<mosaic_0001>
#map = affine_map<(d0, d1) -> (0, 0)>
#map1 = affine_map<(d0, d1) -> (0)>
module attributes {stable_mosaic.version = 14 : i64} {
  func.func @sc_gather_max(%arg0: i32, %arg1: i32, %arg2: memref<131072x64xf32, #tpu.memory_space<hbm>>, %arg3: memref<131072xi32, #tpu.memory_space<hbm>>, %arg4: memref<131072xi32, #tpu.memory_space<hbm>>, %arg5: memref<131072xi32, #tpu.memory_space<hbm>>, %arg6: memref<65536x128xf32, #tpu.memory_space<hbm>>, %arg7: memref<4096xi32, #tpu.memory_space<vmem>>, %arg8: memref<4096xi32, #tpu.memory_space<vmem>>, %arg9: memref<4096xi32, #tpu.memory_space<vmem>>, %arg10: memref<128x64xf32, #tpu.memory_space<vmem>>, %arg11: memref<128x64xf32, #tpu.memory_space<vmem>>, %arg12: memref<128x64xf32, #tpu.memory_space<vmem>>, %arg13: memref<128x64xf32, #tpu.memory_space<vmem>>, %arg14: memref<128x64xf32, #tpu.memory_space<vmem>>, %arg15: memref<128x64xf32, #tpu.memory_space<vmem>>, %arg16: memref<128x64xf32, #tpu.memory_space<vmem>>, %arg17: memref<128x64xf32, #tpu.memory_space<vmem>>, %arg18: memref<!tpu.dma_semaphore, #tpu.memory_space<semaphore_mem>>, %arg19: memref<!tpu.dma_semaphore, #tpu.memory_space<semaphore_mem>>, %arg20: memref<!tpu.dma_semaphore, #tpu.memory_space<semaphore_mem>>) attributes {dimension_semantics = [#tpu.dimension_semantics<core_parallel>, #tpu.dimension_semantics<subcore_parallel>], iteration_bounds = array<i64: 2, 16>, scalar_prefetch = 0 : i64, scratch_operands = 14 : i64, tpu.core_type = #tpu.core_type<sc_vector_subcore>, window_params = [{transform_indices = #map}, {transform_indices = #map1}, {transform_indices = #map1}, {transform_indices = #map1}, {transform_indices = #map}]} {
    %mul3A = arith.constant 2 : i32
    %mul3A_0 = arith.muli %arg1, %mul3A : i32
    %add3A = arith.addi %mul3A_0, %arg0 : i32
    %mul3A_1 = arith.constant 4096 : i32
    %mul3A_2 = arith.muli %add3A, %mul3A_1 : i32
    %jit3A = arith.constant 16 : i32
    %div3A = arith.divsi %add3A, %jit3A : i32
    %sign3A = arith.constant 0 : i32
    %sign3A_3 = arith.cmpi sgt, %add3A, %sign3A : i32
    %sign3A_4 = arith.extui %sign3A_3 : i1 to i32
    %sign3A_5 = arith.constant 0 : i32
    %sign3A_6 = arith.cmpi slt, %add3A, %sign3A_5 : i32
    %sign3A_7 = arith.extui %sign3A_6 : i1 to i32
    %sign3A_8 = arith.subi %sign3A_4, %sign3A_7 : i32
    %sign3A_9 = arith.constant 0 : i32
    %sign3A_10 = arith.cmpi sgt, %jit3A, %sign3A_9 : i32
    %sign3A_11 = arith.extui %sign3A_10 : i1 to i32
    %sign3A_12 = arith.constant 0 : i32
    %sign3A_13 = arith.cmpi slt, %jit3A, %sign3A_12 : i32
    %sign3A_14 = arith.extui %sign3A_13 : i1 to i32
    %sign3A_15 = arith.subi %sign3A_11, %sign3A_14 : i32
    %ne3A = arith.cmpi ne, %sign3A_8, %sign3A_15 : i32
    %rem3A = arith.remsi %add3A, %jit3A : i32
    %ne3A_16 = arith.constant 0 : i32
    %ne3A_17 = arith.cmpi ne, %rem3A, %ne3A_16 : i32
    %and3A = arith.andi %ne3A, %ne3A_17 : i1
    %sub3A = arith.constant 1 : i32
    %sub3A_18 = arith.subi %div3A, %sub3A : i32
    %select_n3A = arith.select %and3A, %sub3A_18, %div3A : i32
    %mul3A_19 = arith.constant 65536 : i32
    %mul3A_20 = arith.muli %select_n3A, %mul3A_19 : i32
    %sub3A_21 = arith.subi %mul3A_2, %mul3A_20 : i32
    %mul3A_22 = arith.constant 64 : i32
    %mul3A_23 = arith.muli %select_n3A, %mul3A_22 : i32
    "tpu.region"() ({
      %run_scoped3A = tpu.sem_alloc : memref<!tpu.dma_semaphore, #tpu.memory_space<semaphore_mem>>
      %dma_start3A_54 = tpu.memref_slice %arg3[%mul3A_2] : memref<131072xi32, #tpu.memory_space<hbm>> -> memref<4096xi32, #tpu.memory_space<hbm>>
      %dma_start3A_55 = tpu.memref_slice %arg3[%mul3A_2] : memref<131072xi32, #tpu.memory_space<hbm>> -> memref<4096xi32, #tpu.memory_space<hbm>>
      tpu.enqueue_dma source(%dma_start3A_55 : memref<4096xi32, #tpu.memory_space<hbm>>) target(%arg7 : memref<4096xi32, #tpu.memory_space<vmem>>) target_semaphore(%run_scoped3A : memref<!tpu.dma_semaphore, #tpu.memory_space<semaphore_mem>>)
      %dma_wait3A_56 = tpu.memref_slice %arg3[%mul3A_2] : memref<131072xi32, #tpu.memory_space<hbm>> -> memref<4096xi32, #tpu.memory_space<hbm>>
      %dma_wait3A_57 = tpu.memref_slice %arg3[%mul3A_2] : memref<131072xi32, #tpu.memory_space<hbm>> -> memref<4096xi32, #tpu.memory_space<hbm>>
      tpu.wait_dma2 semaphore(%run_scoped3A : memref<!tpu.dma_semaphore, #tpu.memory_space<semaphore_mem>>) src(%dma_wait3A_57 : memref<4096xi32, #tpu.memory_space<hbm>>) dst(%arg7 : memref<4096xi32, #tpu.memory_space<vmem>>)
      tpu.yield
    }) : () -> ()
    "tpu.region"() ({
      %run_scoped3A = tpu.sem_alloc : memref<!tpu.dma_semaphore, #tpu.memory_space<semaphore_mem>>
      %dma_start3A_54 = tpu.memref_slice %arg4[%mul3A_2] : memref<131072xi32, #tpu.memory_space<hbm>> -> memref<4096xi32, #tpu.memory_space<hbm>>
      %dma_start3A_55 = tpu.memref_slice %arg4[%mul3A_2] : memref<131072xi32, #tpu.memory_space<hbm>> -> memref<4096xi32, #tpu.memory_space<hbm>>
      tpu.enqueue_dma source(%dma_start3A_55 : memref<4096xi32, #tpu.memory_space<hbm>>) target(%arg8 : memref<4096xi32, #tpu.memory_space<vmem>>) target_semaphore(%run_scoped3A : memref<!tpu.dma_semaphore, #tpu.memory_space<semaphore_mem>>)
      %dma_wait3A_56 = tpu.memref_slice %arg4[%mul3A_2] : memref<131072xi32, #tpu.memory_space<hbm>> -> memref<4096xi32, #tpu.memory_space<hbm>>
      %dma_wait3A_57 = tpu.memref_slice %arg4[%mul3A_2] : memref<131072xi32, #tpu.memory_space<hbm>> -> memref<4096xi32, #tpu.memory_space<hbm>>
      tpu.wait_dma2 semaphore(%run_scoped3A : memref<!tpu.dma_semaphore, #tpu.memory_space<semaphore_mem>>) src(%dma_wait3A_57 : memref<4096xi32, #tpu.memory_space<hbm>>) dst(%arg8 : memref<4096xi32, #tpu.memory_space<vmem>>)
      tpu.yield
    }) : () -> ()
    "tpu.region"() ({
      %run_scoped3A = tpu.sem_alloc : memref<!tpu.dma_semaphore, #tpu.memory_space<semaphore_mem>>
      %dma_start3A_54 = tpu.memref_slice %arg5[%mul3A_2] : memref<131072xi32, #tpu.memory_space<hbm>> -> memref<4096xi32, #tpu.memory_space<hbm>>
      %dma_start3A_55 = tpu.memref_slice %arg5[%mul3A_2] : memref<131072xi32, #tpu.memory_space<hbm>> -> memref<4096xi32, #tpu.memory_space<hbm>>
      tpu.enqueue_dma source(%dma_start3A_55 : memref<4096xi32, #tpu.memory_space<hbm>>) target(%arg9 : memref<4096xi32, #tpu.memory_space<vmem>>) target_semaphore(%run_scoped3A : memref<!tpu.dma_semaphore, #tpu.memory_space<semaphore_mem>>)
      %dma_wait3A_56 = tpu.memref_slice %arg5[%mul3A_2] : memref<131072xi32, #tpu.memory_space<hbm>> -> memref<4096xi32, #tpu.memory_space<hbm>>
      %dma_wait3A_57 = tpu.memref_slice %arg5[%mul3A_2] : memref<131072xi32, #tpu.memory_space<hbm>> -> memref<4096xi32, #tpu.memory_space<hbm>>
      tpu.wait_dma2 semaphore(%run_scoped3A : memref<!tpu.dma_semaphore, #tpu.memory_space<semaphore_mem>>) src(%dma_wait3A_57 : memref<4096xi32, #tpu.memory_space<hbm>>) dst(%arg9 : memref<4096xi32, #tpu.memory_space<vmem>>)
      tpu.yield
    }) : () -> ()
    %dma_start3A = arith.constant 0 : i32
    %dma_start3A_24 = tpu.memref_slice %arg7[%dma_start3A] : memref<4096xi32, #tpu.memory_space<vmem>> -> memref<128xi32, #tpu.memory_space<vmem>>
    %dma_start3A_25 = arith.constant 0 : i32
    %dma_start3A_26 = arith.constant 0 : i32
    %dma_start3A_27 = tpu.memref_slice %arg2[%dma_start3A_25, %dma_start3A_26] : memref<131072x64xf32, #tpu.memory_space<hbm>> -> memref<131072x64xf32, #tpu.memory_space<hbm>>
    tpu.enqueue_indirect_dma source(%dma_start3A_27 : memref<131072x64xf32, #tpu.memory_space<hbm>>) target(%arg10 : memref<128x64xf32, #tpu.memory_space<vmem>>) offsets(%dma_start3A_24 : memref<128xi32, #tpu.memory_space<vmem>>) semaphore(%arg18 : memref<!tpu.dma_semaphore, #tpu.memory_space<semaphore_mem>>)
    %dma_start3A_28 = arith.constant 0 : i32
    %dma_start3A_29 = tpu.memref_slice %arg8[%dma_start3A_28] : memref<4096xi32, #tpu.memory_space<vmem>> -> memref<128xi32, #tpu.memory_space<vmem>>
    %dma_start3A_30 = arith.constant 0 : i32
    %dma_start3A_31 = arith.constant 0 : i32
    %dma_start3A_32 = tpu.memref_slice %arg2[%dma_start3A_30, %dma_start3A_31] : memref<131072x64xf32, #tpu.memory_space<hbm>> -> memref<131072x64xf32, #tpu.memory_space<hbm>>
    tpu.enqueue_indirect_dma source(%dma_start3A_32 : memref<131072x64xf32, #tpu.memory_space<hbm>>) target(%arg11 : memref<128x64xf32, #tpu.memory_space<vmem>>) offsets(%dma_start3A_29 : memref<128xi32, #tpu.memory_space<vmem>>) semaphore(%arg18 : memref<!tpu.dma_semaphore, #tpu.memory_space<semaphore_mem>>)
    %dma_start3A_33 = arith.constant 0 : i32
    %dma_start3A_34 = tpu.memref_slice %arg9[%dma_start3A_33] : memref<4096xi32, #tpu.memory_space<vmem>> -> memref<128xi32, #tpu.memory_space<vmem>>
    %dma_start3A_35 = arith.constant 0 : i32
    %dma_start3A_36 = arith.constant 0 : i32
    %dma_start3A_37 = tpu.memref_slice %arg2[%dma_start3A_35, %dma_start3A_36] : memref<131072x64xf32, #tpu.memory_space<hbm>> -> memref<131072x64xf32, #tpu.memory_space<hbm>>
    tpu.enqueue_indirect_dma source(%dma_start3A_37 : memref<131072x64xf32, #tpu.memory_space<hbm>>) target(%arg12 : memref<128x64xf32, #tpu.memory_space<vmem>>) offsets(%dma_start3A_34 : memref<128xi32, #tpu.memory_space<vmem>>) semaphore(%arg18 : memref<!tpu.dma_semaphore, #tpu.memory_space<semaphore_mem>>)
    %add3A_38 = arith.constant 0 : i32
    %add3A_39 = arith.addi %mul3A_2, %add3A_38 : i32
    %dma_start3A_40 = arith.constant 0 : i32
    %dma_start3A_41 = tpu.memref_slice %arg2[%add3A_39, %dma_start3A_40] : memref<131072x64xf32, #tpu.memory_space<hbm>> -> memref<128x64xf32, #tpu.memory_space<hbm>>
    %dma_start3A_42 = arith.constant 0 : i32
    %dma_start3A_43 = tpu.memref_slice %arg2[%add3A_39, %dma_start3A_42] : memref<131072x64xf32, #tpu.memory_space<hbm>> -> memref<128x64xf32, #tpu.memory_space<hbm>>
    tpu.enqueue_dma source(%dma_start3A_43 : memref<128x64xf32, #tpu.memory_space<hbm>>) target(%arg13 : memref<128x64xf32, #tpu.memory_space<vmem>>) target_semaphore(%arg18 : memref<!tpu.dma_semaphore, #tpu.memory_space<semaphore_mem>>)
    %scan3A = arith.constant 0 : i32
    %scan3A_44 = arith.constant 0 : i32
    %scan3A_45 = arith.constant 16 : i32
    %scan3A_46 = arith.addi %scan3A_44, %scan3A_45 : i32
    %scan3A_47 = arith.constant 1 : i32
    scf.for %scan3A_54 = %scan3A_44 to %scan3A_46 step %scan3A_47  : i32 {
      %mul3A_55 = arith.constant 2 : i32
      %mul3A_56 = arith.muli %mul3A_55, %scan3A_54 : i32
      %add3A_57 = arith.constant 0 : i32
      %add3A_58 = arith.addi %mul3A_56, %add3A_57 : i32
      %ge3A = arith.constant 1 : i32
      %ge3A_59 = arith.cmpi sge, %add3A_58, %ge3A : i32
      %convert_element_type3A = arith.extui %ge3A_59 : i1 to i32
      %cond3A = arith.constant 0 : i32
      %cond3A_60 = arith.cmpi ne, %convert_element_type3A, %cond3A : i32
      scf.if %cond3A_60 {
        %dma_wait3A_153 = arith.constant 0 : i32
        %dma_wait3A_154 = arith.constant 0 : i32
        %dma_wait3A_155 = tpu.memref_slice %arg6[%dma_wait3A_153, %dma_wait3A_154] : memref<65536x128xf32, #tpu.memory_space<hbm>> -> memref<128x64xf32, #tpu.memory_space<hbm>>
        %dma_wait3A_156 = arith.constant 0 : i32
        %dma_wait3A_157 = arith.constant 0 : i32
        %dma_wait3A_158 = tpu.memref_slice %arg6[%dma_wait3A_156, %dma_wait3A_157] : memref<65536x128xf32, #tpu.memory_space<hbm>> -> memref<128x64xf32, #tpu.memory_space<hbm>>
        tpu.wait_dma2 semaphore(%arg20 : memref<!tpu.dma_semaphore, #tpu.memory_space<semaphore_mem>>) src(%arg13 : memref<128x64xf32, #tpu.memory_space<vmem>>) dst(%dma_wait3A_158 : memref<128x64xf32, #tpu.memory_space<hbm>>)
      } else {
      }
      %add3A_61 = arith.constant 1 : i32
      %add3A_62 = arith.addi %add3A_58, %add3A_61 : i32
      %lt3A = arith.constant 32 : i32
      %lt3A_63 = arith.cmpi slt, %add3A_62, %lt3A : i32
      %convert_element_type3A_64 = arith.extui %lt3A_63 : i1 to i32
      %cond3A_65 = arith.constant 0 : i32
      %cond3A_66 = arith.cmpi ne, %convert_element_type3A_64, %cond3A_65 : i32
      scf.if %cond3A_66 {
        %add3A_153 = arith.constant 1 : i32
        %add3A_154 = arith.addi %add3A_58, %add3A_153 : i32
        %mul3A_155 = arith.constant 128 : i32
        %mul3A_156 = arith.muli %add3A_154, %mul3A_155 : i32
        %dma_start3A_157 = tpu.memref_slice %arg7[%mul3A_156] : memref<4096xi32, #tpu.memory_space<vmem>> -> memref<128xi32, #tpu.memory_space<vmem>>
        %dma_start3A_158 = arith.constant 0 : i32
        %dma_start3A_159 = arith.constant 0 : i32
        %dma_start3A_160 = tpu.memref_slice %arg2[%dma_start3A_158, %dma_start3A_159] : memref<131072x64xf32, #tpu.memory_space<hbm>> -> memref<131072x64xf32, #tpu.memory_space<hbm>>
        tpu.enqueue_indirect_dma source(%dma_start3A_160 : memref<131072x64xf32, #tpu.memory_space<hbm>>) target(%arg14 : memref<128x64xf32, #tpu.memory_space<vmem>>) offsets(%dma_start3A_157 : memref<128xi32, #tpu.memory_space<vmem>>) semaphore(%arg19 : memref<!tpu.dma_semaphore, #tpu.memory_space<semaphore_mem>>)
        %dma_start3A_161 = tpu.memref_slice %arg8[%mul3A_156] : memref<4096xi32, #tpu.memory_space<vmem>> -> memref<128xi32, #tpu.memory_space<vmem>>
        %dma_start3A_162 = arith.constant 0 : i32
        %dma_start3A_163 = arith.constant 0 : i32
        %dma_start3A_164 = tpu.memref_slice %arg2[%dma_start3A_162, %dma_start3A_163] : memref<131072x64xf32, #tpu.memory_space<hbm>> -> memref<131072x64xf32, #tpu.memory_space<hbm>>
        tpu.enqueue_indirect_dma source(%dma_start3A_164 : memref<131072x64xf32, #tpu.memory_space<hbm>>) target(%arg15 : memref<128x64xf32, #tpu.memory_space<vmem>>) offsets(%dma_start3A_161 : memref<128xi32, #tpu.memory_space<vmem>>) semaphore(%arg19 : memref<!tpu.dma_semaphore, #tpu.memory_space<semaphore_mem>>)
        %dma_start3A_165 = tpu.memref_slice %arg9[%mul3A_156] : memref<4096xi32, #tpu.memory_space<vmem>> -> memref<128xi32, #tpu.memory_space<vmem>>
        %dma_start3A_166 = arith.constant 0 : i32
        %dma_start3A_167 = arith.constant 0 : i32
        %dma_start3A_168 = tpu.memref_slice %arg2[%dma_start3A_166, %dma_start3A_167] : memref<131072x64xf32, #tpu.memory_space<hbm>> -> memref<131072x64xf32, #tpu.memory_space<hbm>>
        tpu.enqueue_indirect_dma source(%dma_start3A_168 : memref<131072x64xf32, #tpu.memory_space<hbm>>) target(%arg16 : memref<128x64xf32, #tpu.memory_space<vmem>>) offsets(%dma_start3A_165 : memref<128xi32, #tpu.memory_space<vmem>>) semaphore(%arg19 : memref<!tpu.dma_semaphore, #tpu.memory_space<semaphore_mem>>)
        %mul3A_169 = arith.constant 128 : i32
        %mul3A_170 = arith.muli %add3A_154, %mul3A_169 : i32
        %add3A_171 = arith.addi %mul3A_2, %mul3A_170 : i32
        %dma_start3A_172 = arith.constant 0 : i32
        %dma_start3A_173 = tpu.memref_slice %arg2[%add3A_171, %dma_start3A_172] : memref<131072x64xf32, #tpu.memory_space<hbm>> -> memref<128x64xf32, #tpu.memory_space<hbm>>
        %dma_start3A_174 = arith.constant 0 : i32
        %dma_start3A_175 = tpu.memref_slice %arg2[%add3A_171, %dma_start3A_174] : memref<131072x64xf32, #tpu.memory_space<hbm>> -> memref<128x64xf32, #tpu.memory_space<hbm>>
        tpu.enqueue_dma source(%dma_start3A_175 : memref<128x64xf32, #tpu.memory_space<hbm>>) target(%arg17 : memref<128x64xf32, #tpu.memory_space<vmem>>) target_semaphore(%arg19 : memref<!tpu.dma_semaphore, #tpu.memory_space<semaphore_mem>>)
      } else {
      }
      %dma_wait3A_67 = arith.constant 0 : i32
      %dma_wait3A_68 = arith.constant 0 : i32
      %dma_wait3A_69 = tpu.memref_slice %arg2[%dma_wait3A_67, %dma_wait3A_68] : memref<131072x64xf32, #tpu.memory_space<hbm>> -> memref<128x64xf32, #tpu.memory_space<hbm>>
      %dma_wait3A_70 = arith.constant 0 : i32
      %dma_wait3A_71 = arith.constant 0 : i32
      %dma_wait3A_72 = tpu.memref_slice %arg2[%dma_wait3A_70, %dma_wait3A_71] : memref<131072x64xf32, #tpu.memory_space<hbm>> -> memref<128x64xf32, #tpu.memory_space<hbm>>
      tpu.wait_dma2 semaphore(%arg18 : memref<!tpu.dma_semaphore, #tpu.memory_space<semaphore_mem>>) src(%dma_wait3A_72 : memref<128x64xf32, #tpu.memory_space<hbm>>) dst(%arg10 : memref<128x64xf32, #tpu.memory_space<vmem>>)
      %dma_wait3A_73 = arith.constant 0 : i32
      %dma_wait3A_74 = arith.constant 0 : i32
      %dma_wait3A_75 = tpu.memref_slice %arg2[%dma_wait3A_73, %dma_wait3A_74] : memref<131072x64xf32, #tpu.memory_space<hbm>> -> memref<128x64xf32, #tpu.memory_space<hbm>>
      %dma_wait3A_76 = arith.constant 0 : i32
      %dma_wait3A_77 = arith.constant 0 : i32
      %dma_wait3A_78 = tpu.memref_slice %arg2[%dma_wait3A_76, %dma_wait3A_77] : memref<131072x64xf32, #tpu.memory_space<hbm>> -> memref<128x64xf32, #tpu.memory_space<hbm>>
      tpu.wait_dma2 semaphore(%arg18 : memref<!tpu.dma_semaphore, #tpu.memory_space<semaphore_mem>>) src(%dma_wait3A_78 : memref<128x64xf32, #tpu.memory_space<hbm>>) dst(%arg11 : memref<128x64xf32, #tpu.memory_space<vmem>>)
      %dma_wait3A_79 = arith.constant 0 : i32
      %dma_wait3A_80 = arith.constant 0 : i32
      %dma_wait3A_81 = tpu.memref_slice %arg2[%dma_wait3A_79, %dma_wait3A_80] : memref<131072x64xf32, #tpu.memory_space<hbm>> -> memref<128x64xf32, #tpu.memory_space<hbm>>
      %dma_wait3A_82 = arith.constant 0 : i32
      %dma_wait3A_83 = arith.constant 0 : i32
      %dma_wait3A_84 = tpu.memref_slice %arg2[%dma_wait3A_82, %dma_wait3A_83] : memref<131072x64xf32, #tpu.memory_space<hbm>> -> memref<128x64xf32, #tpu.memory_space<hbm>>
      tpu.wait_dma2 semaphore(%arg18 : memref<!tpu.dma_semaphore, #tpu.memory_space<semaphore_mem>>) src(%dma_wait3A_84 : memref<128x64xf32, #tpu.memory_space<hbm>>) dst(%arg12 : memref<128x64xf32, #tpu.memory_space<vmem>>)
      %dma_wait3A_85 = arith.constant 0 : i32
      %dma_wait3A_86 = arith.constant 0 : i32
      %dma_wait3A_87 = tpu.memref_slice %arg2[%dma_wait3A_85, %dma_wait3A_86] : memref<131072x64xf32, #tpu.memory_space<hbm>> -> memref<128x64xf32, #tpu.memory_space<hbm>>
      %dma_wait3A_88 = arith.constant 0 : i32
      %dma_wait3A_89 = arith.constant 0 : i32
      %dma_wait3A_90 = tpu.memref_slice %arg2[%dma_wait3A_88, %dma_wait3A_89] : memref<131072x64xf32, #tpu.memory_space<hbm>> -> memref<128x64xf32, #tpu.memory_space<hbm>>
      tpu.wait_dma2 semaphore(%arg18 : memref<!tpu.dma_semaphore, #tpu.memory_space<semaphore_mem>>) src(%dma_wait3A_90 : memref<128x64xf32, #tpu.memory_space<hbm>>) dst(%arg13 : memref<128x64xf32, #tpu.memory_space<vmem>>)
      %scan3A_91 = arith.constant 0 : i32
      %scan3A_92 = arith.constant 0 : i32
      %scan3A_93 = arith.constant 128 : i32
      %scan3A_94 = arith.addi %scan3A_92, %scan3A_93 : i32
      %scan3A_95 = arith.constant 2 : i32
      scf.for %scan3A_153 = %scan3A_92 to %scan3A_94 step %scan3A_95  : i32 {
        %get3A = arith.index_cast %scan3A_153 : i32 to index
        %get3A_154 = arith.constant 0 : index
        %get3A_155 = tpu.vector_load %arg10[%get3A, %get3A_154] {strides = array<i32>} : memref<128x64xf32, #tpu.memory_space<vmem>>, vector<16xf32>,
        %get3A_156 = arith.index_cast %scan3A_153 : i32 to index
        %get3A_157 = arith.constant 0 : index
        %get3A_158 = tpu.vector_load %arg11[%get3A_156, %get3A_157] {strides = array<i32>} : memref<128x64xf32, #tpu.memory_space<vmem>>, vector<16xf32>,
        %max3A = arith.maximumf %get3A_155, %get3A_158 : vector<16xf32>
        %get3A_159 = arith.index_cast %scan3A_153 : i32 to index
        %get3A_160 = arith.constant 0 : index
        %get3A_161 = tpu.vector_load %arg12[%get3A_159, %get3A_160] {strides = array<i32>} : memref<128x64xf32, #tpu.memory_space<vmem>>, vector<16xf32>,
        %get3A_162 = arith.index_cast %scan3A_153 : i32 to index
        %get3A_163 = arith.constant 0 : index
        %get3A_164 = tpu.vector_load %arg13[%get3A_162, %get3A_163] {strides = array<i32>} : memref<128x64xf32, #tpu.memory_space<vmem>>, vector<16xf32>,
        %max3A_165 = arith.maximumf %get3A_161, %get3A_164 : vector<16xf32>
        %max3A_166 = arith.maximumf %max3A, %max3A_165 : vector<16xf32>
        %swap3A = arith.index_cast %scan3A_153 : i32 to index
        %swap3A_167 = arith.constant 0 : index
        %swap3A_168 = tpu.vector_load %arg13[%swap3A, %swap3A_167] {strides = array<i32>} : memref<128x64xf32, #tpu.memory_space<vmem>>, vector<16xf32>,
        tpu.vector_store %arg13[%swap3A, %swap3A_167], %max3A_166 {strides = array<i32>} : memref<128x64xf32, #tpu.memory_space<vmem>>, vector<16xf32>,
        %get3A_169 = arith.index_cast %scan3A_153 : i32 to index
        %get3A_170 = arith.constant 16 : index
        %get3A_171 = tpu.vector_load %arg10[%get3A_169, %get3A_170] {strides = array<i32>} : memref<128x64xf32, #tpu.memory_space<vmem>>, vector<16xf32>,
        %get3A_172 = arith.index_cast %scan3A_153 : i32 to index
        %get3A_173 = arith.constant 16 : index
        %get3A_174 = tpu.vector_load %arg11[%get3A_172, %get3A_173] {strides = array<i32>} : memref<128x64xf32, #tpu.memory_space<vmem>>, vector<16xf32>,
        %max3A_175 = arith.maximumf %get3A_171, %get3A_174 : vector<16xf32>
        %get3A_176 = arith.index_cast %scan3A_153 : i32 to index
        %get3A_177 = arith.constant 16 : index
        %get3A_178 = tpu.vector_load %arg12[%get3A_176, %get3A_177] {strides = array<i32>} : memref<128x64xf32, #tpu.memory_space<vmem>>, vector<16xf32>,
        %get3A_179 = arith.index_cast %scan3A_153 : i32 to index
        %get3A_180 = arith.constant 16 : index
        %get3A_181 = tpu.vector_load %arg13[%get3A_179, %get3A_180] {strides = array<i32>} : memref<128x64xf32, #tpu.memory_space<vmem>>, vector<16xf32>,
        %max3A_182 = arith.maximumf %get3A_178, %get3A_181 : vector<16xf32>
        %max3A_183 = arith.maximumf %max3A_175, %max3A_182 : vector<16xf32>
        %swap3A_184 = arith.index_cast %scan3A_153 : i32 to index
        %swap3A_185 = arith.constant 16 : index
        %swap3A_186 = tpu.vector_load %arg13[%swap3A_184, %swap3A_185] {strides = array<i32>} : memref<128x64xf32, #tpu.memory_space<vmem>>, vector<16xf32>,
        tpu.vector_store %arg13[%swap3A_184, %swap3A_185], %max3A_183 {strides = array<i32>} : memref<128x64xf32, #tpu.memory_space<vmem>>, vector<16xf32>,
        %get3A_187 = arith.index_cast %scan3A_153 : i32 to index
        %get3A_188 = arith.constant 32 : index
        %get3A_189 = tpu.vector_load %arg10[%get3A_187, %get3A_188] {strides = array<i32>} : memref<128x64xf32, #tpu.memory_space<vmem>>, vector<16xf32>,
        %get3A_190 = arith.index_cast %scan3A_153 : i32 to index
        %get3A_191 = arith.constant 32 : index
        %get3A_192 = tpu.vector_load %arg11[%get3A_190, %get3A_191] {strides = array<i32>} : memref<128x64xf32, #tpu.memory_space<vmem>>, vector<16xf32>,
        %max3A_193 = arith.maximumf %get3A_189, %get3A_192 : vector<16xf32>
        %get3A_194 = arith.index_cast %scan3A_153 : i32 to index
        %get3A_195 = arith.constant 32 : index
        %get3A_196 = tpu.vector_load %arg12[%get3A_194, %get3A_195] {strides = array<i32>} : memref<128x64xf32, #tpu.memory_space<vmem>>, vector<16xf32>,
        %get3A_197 = arith.index_cast %scan3A_153 : i32 to index
        %get3A_198 = arith.constant 32 : index
        %get3A_199 = tpu.vector_load %arg13[%get3A_197, %get3A_198] {strides = array<i32>} : memref<128x64xf32, #tpu.memory_space<vmem>>, vector<16xf32>,
        %max3A_200 = arith.maximumf %get3A_196, %get3A_199 : vector<16xf32>
        %max3A_201 = arith.maximumf %max3A_193, %max3A_200 : vector<16xf32>
        %swap3A_202 = arith.index_cast %scan3A_153 : i32 to index
        %swap3A_203 = arith.constant 32 : index
        %swap3A_204 = tpu.vector_load %arg13[%swap3A_202, %swap3A_203] {strides = array<i32>} : memref<128x64xf32, #tpu.memory_space<vmem>>, vector<16xf32>,
        tpu.vector_store %arg13[%swap3A_202, %swap3A_203], %max3A_201 {strides = array<i32>} : memref<128x64xf32, #tpu.memory_space<vmem>>, vector<16xf32>,
        %get3A_205 = arith.index_cast %scan3A_153 : i32 to index
        %get3A_206 = arith.constant 48 : index
        %get3A_207 = tpu.vector_load %arg10[%get3A_205, %get3A_206] {strides = array<i32>} : memref<128x64xf32, #tpu.memory_space<vmem>>, vector<16xf32>,
        %get3A_208 = arith.index_cast %scan3A_153 : i32 to index
        %get3A_209 = arith.constant 48 : index
        %get3A_210 = tpu.vector_load %arg11[%get3A_208, %get3A_209] {strides = array<i32>} : memref<128x64xf32, #tpu.memory_space<vmem>>, vector<16xf32>,
        %max3A_211 = arith.maximumf %get3A_207, %get3A_210 : vector<16xf32>
        %get3A_212 = arith.index_cast %scan3A_153 : i32 to index
        %get3A_213 = arith.constant 48 : index
        %get3A_214 = tpu.vector_load %arg12[%get3A_212, %get3A_213] {strides = array<i32>} : memref<128x64xf32, #tpu.memory_space<vmem>>, vector<16xf32>,
        %get3A_215 = arith.index_cast %scan3A_153 : i32 to index
        %get3A_216 = arith.constant 48 : index
        %get3A_217 = tpu.vector_load %arg13[%get3A_215, %get3A_216] {strides = array<i32>} : memref<128x64xf32, #tpu.memory_space<vmem>>, vector<16xf32>,
        %max3A_218 = arith.maximumf %get3A_214, %get3A_217 : vector<16xf32>
        %max3A_219 = arith.maximumf %max3A_211, %max3A_218 : vector<16xf32>
        %swap3A_220 = arith.index_cast %scan3A_153 : i32 to index
        %swap3A_221 = arith.constant 48 : index
        %swap3A_222 = tpu.vector_load %arg13[%swap3A_220, %swap3A_221] {strides = array<i32>} : memref<128x64xf32, #tpu.memory_space<vmem>>, vector<16xf32>,
        tpu.vector_store %arg13[%swap3A_220, %swap3A_221], %max3A_219 {strides = array<i32>} : memref<128x64xf32, #tpu.memory_space<vmem>>, vector<16xf32>,
        %scan3A_223 = arith.constant 1 : i32
        %scan3A_224 = arith.addi %scan3A_153, %scan3A_223 : i32
        %get3A_225 = arith.index_cast %scan3A_224 : i32 to index
        %get3A_226 = arith.constant 0 : index
        %get3A_227 = tpu.vector_load %arg10[%get3A_225, %get3A_226] {strides = array<i32>} : memref<128x64xf32, #tpu.memory_space<vmem>>, vector<16xf32>,
        %get3A_228 = arith.index_cast %scan3A_224 : i32 to index
        %get3A_229 = arith.constant 0 : index
        %get3A_230 = tpu.vector_load %arg11[%get3A_228, %get3A_229] {strides = array<i32>} : memref<128x64xf32, #tpu.memory_space<vmem>>, vector<16xf32>,
        %max3A_231 = arith.maximumf %get3A_227, %get3A_230 : vector<16xf32>
        %get3A_232 = arith.index_cast %scan3A_224 : i32 to index
        %get3A_233 = arith.constant 0 : index
        %get3A_234 = tpu.vector_load %arg12[%get3A_232, %get3A_233] {strides = array<i32>} : memref<128x64xf32, #tpu.memory_space<vmem>>, vector<16xf32>,
        %get3A_235 = arith.index_cast %scan3A_224 : i32 to index
        %get3A_236 = arith.constant 0 : index
        %get3A_237 = tpu.vector_load %arg13[%get3A_235, %get3A_236] {strides = array<i32>} : memref<128x64xf32, #tpu.memory_space<vmem>>, vector<16xf32>,
        %max3A_238 = arith.maximumf %get3A_234, %get3A_237 : vector<16xf32>
        %max3A_239 = arith.maximumf %max3A_231, %max3A_238 : vector<16xf32>
        %swap3A_240 = arith.index_cast %scan3A_224 : i32 to index
        %swap3A_241 = arith.constant 0 : index
        %swap3A_242 = tpu.vector_load %arg13[%swap3A_240, %swap3A_241] {strides = array<i32>} : memref<128x64xf32, #tpu.memory_space<vmem>>, vector<16xf32>,
        tpu.vector_store %arg13[%swap3A_240, %swap3A_241], %max3A_239 {strides = array<i32>} : memref<128x64xf32, #tpu.memory_space<vmem>>, vector<16xf32>,
        %get3A_243 = arith.index_cast %scan3A_224 : i32 to index
        %get3A_244 = arith.constant 16 : index
        %get3A_245 = tpu.vector_load %arg10[%get3A_243, %get3A_244] {strides = array<i32>} : memref<128x64xf32, #tpu.memory_space<vmem>>, vector<16xf32>,
        %get3A_246 = arith.index_cast %scan3A_224 : i32 to index
        %get3A_247 = arith.constant 16 : index
        %get3A_248 = tpu.vector_load %arg11[%get3A_246, %get3A_247] {strides = array<i32>} : memref<128x64xf32, #tpu.memory_space<vmem>>, vector<16xf32>,
        %max3A_249 = arith.maximumf %get3A_245, %get3A_248 : vector<16xf32>
        %get3A_250 = arith.index_cast %scan3A_224 : i32 to index
        %get3A_251 = arith.constant 16 : index
        %get3A_252 = tpu.vector_load %arg12[%get3A_250, %get3A_251] {strides = array<i32>} : memref<128x64xf32, #tpu.memory_space<vmem>>, vector<16xf32>,
        %get3A_253 = arith.index_cast %scan3A_224 : i32 to index
        %get3A_254 = arith.constant 16 : index
        %get3A_255 = tpu.vector_load %arg13[%get3A_253, %get3A_254] {strides = array<i32>} : memref<128x64xf32, #tpu.memory_space<vmem>>, vector<16xf32>,
        %max3A_256 = arith.maximumf %get3A_252, %get3A_255 : vector<16xf32>
        %max3A_257 = arith.maximumf %max3A_249, %max3A_256 : vector<16xf32>
        %swap3A_258 = arith.index_cast %scan3A_224 : i32 to index
        %swap3A_259 = arith.constant 16 : index
        %swap3A_260 = tpu.vector_load %arg13[%swap3A_258, %swap3A_259] {strides = array<i32>} : memref<128x64xf32, #tpu.memory_space<vmem>>, vector<16xf32>,
        tpu.vector_store %arg13[%swap3A_258, %swap3A_259], %max3A_257 {strides = array<i32>} : memref<128x64xf32, #tpu.memory_space<vmem>>, vector<16xf32>,
        %get3A_261 = arith.index_cast %scan3A_224 : i32 to index
        %get3A_262 = arith.constant 32 : index
        %get3A_263 = tpu.vector_load %arg10[%get3A_261, %get3A_262] {strides = array<i32>} : memref<128x64xf32, #tpu.memory_space<vmem>>, vector<16xf32>,
        %get3A_264 = arith.index_cast %scan3A_224 : i32 to index
        %get3A_265 = arith.constant 32 : index
        %get3A_266 = tpu.vector_load %arg11[%get3A_264, %get3A_265] {strides = array<i32>} : memref<128x64xf32, #tpu.memory_space<vmem>>, vector<16xf32>,
        %max3A_267 = arith.maximumf %get3A_263, %get3A_266 : vector<16xf32>
        %get3A_268 = arith.index_cast %scan3A_224 : i32 to index
        %get3A_269 = arith.constant 32 : index
        %get3A_270 = tpu.vector_load %arg12[%get3A_268, %get3A_269] {strides = array<i32>} : memref<128x64xf32, #tpu.memory_space<vmem>>, vector<16xf32>,
        %get3A_271 = arith.index_cast %scan3A_224 : i32 to index
        %get3A_272 = arith.constant 32 : index
        %get3A_273 = tpu.vector_load %arg13[%get3A_271, %get3A_272] {strides = array<i32>} : memref<128x64xf32, #tpu.memory_space<vmem>>, vector<16xf32>,
        %max3A_274 = arith.maximumf %get3A_270, %get3A_273 : vector<16xf32>
        %max3A_275 = arith.maximumf %max3A_267, %max3A_274 : vector<16xf32>
        %swap3A_276 = arith.index_cast %scan3A_224 : i32 to index
        %swap3A_277 = arith.constant 32 : index
        %swap3A_278 = tpu.vector_load %arg13[%swap3A_276, %swap3A_277] {strides = array<i32>} : memref<128x64xf32, #tpu.memory_space<vmem>>, vector<16xf32>,
        tpu.vector_store %arg13[%swap3A_276, %swap3A_277], %max3A_275 {strides = array<i32>} : memref<128x64xf32, #tpu.memory_space<vmem>>, vector<16xf32>,
        %get3A_279 = arith.index_cast %scan3A_224 : i32 to index
        %get3A_280 = arith.constant 48 : index
        %get3A_281 = tpu.vector_load %arg10[%get3A_279, %get3A_280] {strides = array<i32>} : memref<128x64xf32, #tpu.memory_space<vmem>>, vector<16xf32>,
        %get3A_282 = arith.index_cast %scan3A_224 : i32 to index
        %get3A_283 = arith.constant 48 : index
        %get3A_284 = tpu.vector_load %arg11[%get3A_282, %get3A_283] {strides = array<i32>} : memref<128x64xf32, #tpu.memory_space<vmem>>, vector<16xf32>,
        %max3A_285 = arith.maximumf %get3A_281, %get3A_284 : vector<16xf32>
        %get3A_286 = arith.index_cast %scan3A_224 : i32 to index
        %get3A_287 = arith.constant 48 : index
        %get3A_288 = tpu.vector_load %arg12[%get3A_286, %get3A_287] {strides = array<i32>} : memref<128x64xf32, #tpu.memory_space<vmem>>, vector<16xf32>,
        %get3A_289 = arith.index_cast %scan3A_224 : i32 to index
        %get3A_290 = arith.constant 48 : index
        %get3A_291 = tpu.vector_load %arg13[%get3A_289, %get3A_290] {strides = array<i32>} : memref<128x64xf32, #tpu.memory_space<vmem>>, vector<16xf32>,
        %max3A_292 = arith.maximumf %get3A_288, %get3A_291 : vector<16xf32>
        %max3A_293 = arith.maximumf %max3A_285, %max3A_292 : vector<16xf32>
        %swap3A_294 = arith.index_cast %scan3A_224 : i32 to index
        %swap3A_295 = arith.constant 48 : index
        %swap3A_296 = tpu.vector_load %arg13[%swap3A_294, %swap3A_295] {strides = array<i32>} : memref<128x64xf32, #tpu.memory_space<vmem>>, vector<16xf32>,
        tpu.vector_store %arg13[%swap3A_294, %swap3A_295], %max3A_293 {strides = array<i32>} : memref<128x64xf32, #tpu.memory_space<vmem>>, vector<16xf32>,
      }
      %scan3A_96 = arith.constant 128 : i32
      %mul3A_97 = arith.constant 128 : i32
      %mul3A_98 = arith.muli %add3A_58, %mul3A_97 : i32
      %add3A_99 = arith.addi %sub3A_21, %mul3A_98 : i32
      %dma_start3A_100 = tpu.memref_slice %arg6[%add3A_99, %mul3A_23] : memref<65536x128xf32, #tpu.memory_space<hbm>> -> memref<128x64xf32, #tpu.memory_space<hbm>>
      %dma_start3A_101 = tpu.memref_slice %arg6[%add3A_99, %mul3A_23] : memref<65536x128xf32, #tpu.memory_space<hbm>> -> memref<128x64xf32, #tpu.memory_space<hbm>>
      tpu.enqueue_dma source(%arg13 : memref<128x64xf32, #tpu.memory_space<vmem>>) target(%dma_start3A_101 : memref<128x64xf32, #tpu.memory_space<hbm>>) target_semaphore(%arg20 : memref<!tpu.dma_semaphore, #tpu.memory_space<semaphore_mem>>)
      %mul3A_102 = arith.constant 2 : i32
      %mul3A_103 = arith.muli %mul3A_102, %scan3A_54 : i32
      %add3A_104 = arith.constant 1 : i32
      %add3A_105 = arith.addi %mul3A_103, %add3A_104 : i32
      %ge3A_106 = arith.constant 1 : i32
      %ge3A_107 = arith.cmpi sge, %add3A_105, %ge3A_106 : i32
      %convert_element_type3A_108 = arith.extui %ge3A_107 : i1 to i32
      %cond3A_109 = arith.constant 0 : i32
      %cond3A_110 = arith.cmpi ne, %convert_element_type3A_108, %cond3A_109 : i32
      scf.if %cond3A_110 {
        %dma_wait3A_153 = arith.constant 0 : i32
        %dma_wait3A_154 = arith.constant 0 : i32
        %dma_wait3A_155 = tpu.memref_slice %arg6[%dma_wait3A_153, %dma_wait3A_154] : memref<65536x128xf32, #tpu.memory_space<hbm>> -> memref<128x64xf32, #tpu.memory_space<hbm>>
        %dma_wait3A_156 = arith.constant 0 : i32
        %dma_wait3A_157 = arith.constant 0 : i32
        %dma_wait3A_158 = tpu.memref_slice %arg6[%dma_wait3A_156, %dma_wait3A_157] : memref<65536x128xf32, #tpu.memory_space<hbm>> -> memref<128x64xf32, #tpu.memory_space<hbm>>
        tpu.wait_dma2 semaphore(%arg20 : memref<!tpu.dma_semaphore, #tpu.memory_space<semaphore_mem>>) src(%arg13 : memref<128x64xf32, #tpu.memory_space<vmem>>) dst(%dma_wait3A_158 : memref<128x64xf32, #tpu.memory_space<hbm>>)
      } else {
      }
      %add3A_111 = arith.constant 1 : i32
      %add3A_112 = arith.addi %add3A_105, %add3A_111 : i32
      %lt3A_113 = arith.constant 32 : i32
      %lt3A_114 = arith.cmpi slt, %add3A_112, %lt3A_113 : i32
      %convert_element_type3A_115 = arith.extui %lt3A_114 : i1 to i32
      %cond3A_116 = arith.constant 0 : i32
      %cond3A_117 = arith.cmpi ne, %convert_element_type3A_115, %cond3A_116 : i32
      scf.if %cond3A_117 {
        %add3A_153 = arith.constant 1 : i32
        %add3A_154 = arith.addi %add3A_105, %add3A_153 : i32
        %mul3A_155 = arith.constant 128 : i32
        %mul3A_156 = arith.muli %add3A_154, %mul3A_155 : i32
        %dma_start3A_157 = tpu.memref_slice %arg7[%mul3A_156] : memref<4096xi32, #tpu.memory_space<vmem>> -> memref<128xi32, #tpu.memory_space<vmem>>
        %dma_start3A_158 = arith.constant 0 : i32
        %dma_start3A_159 = arith.constant 0 : i32
        %dma_start3A_160 = tpu.memref_slice %arg2[%dma_start3A_158, %dma_start3A_159] : memref<131072x64xf32, #tpu.memory_space<hbm>> -> memref<131072x64xf32, #tpu.memory_space<hbm>>
        tpu.enqueue_indirect_dma source(%dma_start3A_160 : memref<131072x64xf32, #tpu.memory_space<hbm>>) target(%arg10 : memref<128x64xf32, #tpu.memory_space<vmem>>) offsets(%dma_start3A_157 : memref<128xi32, #tpu.memory_space<vmem>>) semaphore(%arg18 : memref<!tpu.dma_semaphore, #tpu.memory_space<semaphore_mem>>)
        %dma_start3A_161 = tpu.memref_slice %arg8[%mul3A_156] : memref<4096xi32, #tpu.memory_space<vmem>> -> memref<128xi32, #tpu.memory_space<vmem>>
        %dma_start3A_162 = arith.constant 0 : i32
        %dma_start3A_163 = arith.constant 0 : i32
        %dma_start3A_164 = tpu.memref_slice %arg2[%dma_start3A_162, %dma_start3A_163] : memref<131072x64xf32, #tpu.memory_space<hbm>> -> memref<131072x64xf32, #tpu.memory_space<hbm>>
        tpu.enqueue_indirect_dma source(%dma_start3A_164 : memref<131072x64xf32, #tpu.memory_space<hbm>>) target(%arg11 : memref<128x64xf32, #tpu.memory_space<vmem>>) offsets(%dma_start3A_161 : memref<128xi32, #tpu.memory_space<vmem>>) semaphore(%arg18 : memref<!tpu.dma_semaphore, #tpu.memory_space<semaphore_mem>>)
        %dma_start3A_165 = tpu.memref_slice %arg9[%mul3A_156] : memref<4096xi32, #tpu.memory_space<vmem>> -> memref<128xi32, #tpu.memory_space<vmem>>
        %dma_start3A_166 = arith.constant 0 : i32
        %dma_start3A_167 = arith.constant 0 : i32
        %dma_start3A_168 = tpu.memref_slice %arg2[%dma_start3A_166, %dma_start3A_167] : memref<131072x64xf32, #tpu.memory_space<hbm>> -> memref<131072x64xf32, #tpu.memory_space<hbm>>
        tpu.enqueue_indirect_dma source(%dma_start3A_168 : memref<131072x64xf32, #tpu.memory_space<hbm>>) target(%arg12 : memref<128x64xf32, #tpu.memory_space<vmem>>) offsets(%dma_start3A_165 : memref<128xi32, #tpu.memory_space<vmem>>) semaphore(%arg18 : memref<!tpu.dma_semaphore, #tpu.memory_space<semaphore_mem>>)
        %mul3A_169 = arith.constant 128 : i32
        %mul3A_170 = arith.muli %add3A_154, %mul3A_169 : i32
        %add3A_171 = arith.addi %mul3A_2, %mul3A_170 : i32
        %dma_start3A_172 = arith.constant 0 : i32
        %dma_start3A_173 = tpu.memref_slice %arg2[%add3A_171, %dma_start3A_172] : memref<131072x64xf32, #tpu.memory_space<hbm>> -> memref<128x64xf32, #tpu.memory_space<hbm>>
        %dma_start3A_174 = arith.constant 0 : i32
        %dma_start3A_175 = tpu.memref_slice %arg2[%add3A_171, %dma_start3A_174] : memref<131072x64xf32, #tpu.memory_space<hbm>> -> memref<128x64xf32, #tpu.memory_space<hbm>>
        tpu.enqueue_dma source(%dma_start3A_175 : memref<128x64xf32, #tpu.memory_space<hbm>>) target(%arg13 : memref<128x64xf32, #tpu.memory_space<vmem>>) target_semaphore(%arg18 : memref<!tpu.dma_semaphore, #tpu.memory_space<semaphore_mem>>)
      } else {
      }
      %dma_wait3A_118 = arith.constant 0 : i32
      %dma_wait3A_119 = arith.constant 0 : i32
      %dma_wait3A_120 = tpu.memref_slice %arg2[%dma_wait3A_118, %dma_wait3A_119] : memref<131072x64xf32, #tpu.memory_space<hbm>> -> memref<128x64xf32, #tpu.memory_space<hbm>>
      %dma_wait3A_121 = arith.constant 0 : i32
      %dma_wait3A_122 = arith.constant 0 : i32
      %dma_wait3A_123 = tpu.memref_slice %arg2[%dma_wait3A_121, %dma_wait3A_122] : memref<131072x64xf32, #tpu.memory_space<hbm>> -> memref<128x64xf32, #tpu.memory_space<hbm>>
      tpu.wait_dma2 semaphore(%arg19 : memref<!tpu.dma_semaphore, #tpu.memory_space<semaphore_mem>>) src(%dma_wait3A_123 : memref<128x64xf32, #tpu.memory_space<hbm>>) dst(%arg14 : memref<128x64xf32, #tpu.memory_space<vmem>>)
      %dma_wait3A_124 = arith.constant 0 : i32
      %dma_wait3A_125 = arith.constant 0 : i32
      %dma_wait3A_126 = tpu.memref_slice %arg2[%dma_wait3A_124, %dma_wait3A_125] : memref<131072x64xf32, #tpu.memory_space<hbm>> -> memref<128x64xf32, #tpu.memory_space<hbm>>
      %dma_wait3A_127 = arith.constant 0 : i32
      %dma_wait3A_128 = arith.constant 0 : i32
      %dma_wait3A_129 = tpu.memref_slice %arg2[%dma_wait3A_127, %dma_wait3A_128] : memref<131072x64xf32, #tpu.memory_space<hbm>> -> memref<128x64xf32, #tpu.memory_space<hbm>>
      tpu.wait_dma2 semaphore(%arg19 : memref<!tpu.dma_semaphore, #tpu.memory_space<semaphore_mem>>) src(%dma_wait3A_129 : memref<128x64xf32, #tpu.memory_space<hbm>>) dst(%arg15 : memref<128x64xf32, #tpu.memory_space<vmem>>)
      %dma_wait3A_130 = arith.constant 0 : i32
      %dma_wait3A_131 = arith.constant 0 : i32
      %dma_wait3A_132 = tpu.memref_slice %arg2[%dma_wait3A_130, %dma_wait3A_131] : memref<131072x64xf32, #tpu.memory_space<hbm>> -> memref<128x64xf32, #tpu.memory_space<hbm>>
      %dma_wait3A_133 = arith.constant 0 : i32
      %dma_wait3A_134 = arith.constant 0 : i32
      %dma_wait3A_135 = tpu.memref_slice %arg2[%dma_wait3A_133, %dma_wait3A_134] : memref<131072x64xf32, #tpu.memory_space<hbm>> -> memref<128x64xf32, #tpu.memory_space<hbm>>
      tpu.wait_dma2 semaphore(%arg19 : memref<!tpu.dma_semaphore, #tpu.memory_space<semaphore_mem>>) src(%dma_wait3A_135 : memref<128x64xf32, #tpu.memory_space<hbm>>) dst(%arg16 : memref<128x64xf32, #tpu.memory_space<vmem>>)
      %dma_wait3A_136 = arith.constant 0 : i32
      %dma_wait3A_137 = arith.constant 0 : i32
      %dma_wait3A_138 = tpu.memref_slice %arg2[%dma_wait3A_136, %dma_wait3A_137] : memref<131072x64xf32, #tpu.memory_space<hbm>> -> memref<128x64xf32, #tpu.memory_space<hbm>>
      %dma_wait3A_139 = arith.constant 0 : i32
      %dma_wait3A_140 = arith.constant 0 : i32
      %dma_wait3A_141 = tpu.memref_slice %arg2[%dma_wait3A_139, %dma_wait3A_140] : memref<131072x64xf32, #tpu.memory_space<hbm>> -> memref<128x64xf32, #tpu.memory_space<hbm>>
      tpu.wait_dma2 semaphore(%arg19 : memref<!tpu.dma_semaphore, #tpu.memory_space<semaphore_mem>>) src(%dma_wait3A_141 : memref<128x64xf32, #tpu.memory_space<hbm>>) dst(%arg17 : memref<128x64xf32, #tpu.memory_space<vmem>>)
      %scan3A_142 = arith.constant 0 : i32
      %scan3A_143 = arith.constant 0 : i32
      %scan3A_144 = arith.constant 128 : i32
      %scan3A_145 = arith.addi %scan3A_143, %scan3A_144 : i32
      %scan3A_146 = arith.constant 2 : i32
      scf.for %scan3A_153 = %scan3A_143 to %scan3A_145 step %scan3A_146  : i32 {
        %get3A = arith.index_cast %scan3A_153 : i32 to index
        %get3A_154 = arith.constant 0 : index
        %get3A_155 = tpu.vector_load %arg14[%get3A, %get3A_154] {strides = array<i32>} : memref<128x64xf32, #tpu.memory_space<vmem>>, vector<16xf32>,
        %get3A_156 = arith.index_cast %scan3A_153 : i32 to index
        %get3A_157 = arith.constant 0 : index
        %get3A_158 = tpu.vector_load %arg15[%get3A_156, %get3A_157] {strides = array<i32>} : memref<128x64xf32, #tpu.memory_space<vmem>>, vector<16xf32>,
        %max3A = arith.maximumf %get3A_155, %get3A_158 : vector<16xf32>
        %get3A_159 = arith.index_cast %scan3A_153 : i32 to index
        %get3A_160 = arith.constant 0 : index
        %get3A_161 = tpu.vector_load %arg16[%get3A_159, %get3A_160] {strides = array<i32>} : memref<128x64xf32, #tpu.memory_space<vmem>>, vector<16xf32>,
        %get3A_162 = arith.index_cast %scan3A_153 : i32 to index
        %get3A_163 = arith.constant 0 : index
        %get3A_164 = tpu.vector_load %arg17[%get3A_162, %get3A_163] {strides = array<i32>} : memref<128x64xf32, #tpu.memory_space<vmem>>, vector<16xf32>,
        %max3A_165 = arith.maximumf %get3A_161, %get3A_164 : vector<16xf32>
        %max3A_166 = arith.maximumf %max3A, %max3A_165 : vector<16xf32>
        %swap3A = arith.index_cast %scan3A_153 : i32 to index
        %swap3A_167 = arith.constant 0 : index
        %swap3A_168 = tpu.vector_load %arg17[%swap3A, %swap3A_167] {strides = array<i32>} : memref<128x64xf32, #tpu.memory_space<vmem>>, vector<16xf32>,
        tpu.vector_store %arg17[%swap3A, %swap3A_167], %max3A_166 {strides = array<i32>} : memref<128x64xf32, #tpu.memory_space<vmem>>, vector<16xf32>,
        %get3A_169 = arith.index_cast %scan3A_153 : i32 to index
        %get3A_170 = arith.constant 16 : index
        %get3A_171 = tpu.vector_load %arg14[%get3A_169, %get3A_170] {strides = array<i32>} : memref<128x64xf32, #tpu.memory_space<vmem>>, vector<16xf32>,
        %get3A_172 = arith.index_cast %scan3A_153 : i32 to index
        %get3A_173 = arith.constant 16 : index
        %get3A_174 = tpu.vector_load %arg15[%get3A_172, %get3A_173] {strides = array<i32>} : memref<128x64xf32, #tpu.memory_space<vmem>>, vector<16xf32>,
        %max3A_175 = arith.maximumf %get3A_171, %get3A_174 : vector<16xf32>
        %get3A_176 = arith.index_cast %scan3A_153 : i32 to index
        %get3A_177 = arith.constant 16 : index
        %get3A_178 = tpu.vector_load %arg16[%get3A_176, %get3A_177] {strides = array<i32>} : memref<128x64xf32, #tpu.memory_space<vmem>>, vector<16xf32>,
        %get3A_179 = arith.index_cast %scan3A_153 : i32 to index
        %get3A_180 = arith.constant 16 : index
        %get3A_181 = tpu.vector_load %arg17[%get3A_179, %get3A_180] {strides = array<i32>} : memref<128x64xf32, #tpu.memory_space<vmem>>, vector<16xf32>,
        %max3A_182 = arith.maximumf %get3A_178, %get3A_181 : vector<16xf32>
        %max3A_183 = arith.maximumf %max3A_175, %max3A_182 : vector<16xf32>
        %swap3A_184 = arith.index_cast %scan3A_153 : i32 to index
        %swap3A_185 = arith.constant 16 : index
        %swap3A_186 = tpu.vector_load %arg17[%swap3A_184, %swap3A_185] {strides = array<i32>} : memref<128x64xf32, #tpu.memory_space<vmem>>, vector<16xf32>,
        tpu.vector_store %arg17[%swap3A_184, %swap3A_185], %max3A_183 {strides = array<i32>} : memref<128x64xf32, #tpu.memory_space<vmem>>, vector<16xf32>,
        %get3A_187 = arith.index_cast %scan3A_153 : i32 to index
        %get3A_188 = arith.constant 32 : index
        %get3A_189 = tpu.vector_load %arg14[%get3A_187, %get3A_188] {strides = array<i32>} : memref<128x64xf32, #tpu.memory_space<vmem>>, vector<16xf32>,
        %get3A_190 = arith.index_cast %scan3A_153 : i32 to index
        %get3A_191 = arith.constant 32 : index
        %get3A_192 = tpu.vector_load %arg15[%get3A_190, %get3A_191] {strides = array<i32>} : memref<128x64xf32, #tpu.memory_space<vmem>>, vector<16xf32>,
        %max3A_193 = arith.maximumf %get3A_189, %get3A_192 : vector<16xf32>
        %get3A_194 = arith.index_cast %scan3A_153 : i32 to index
        %get3A_195 = arith.constant 32 : index
        %get3A_196 = tpu.vector_load %arg16[%get3A_194, %get3A_195] {strides = array<i32>} : memref<128x64xf32, #tpu.memory_space<vmem>>, vector<16xf32>,
        %get3A_197 = arith.index_cast %scan3A_153 : i32 to index
        %get3A_198 = arith.constant 32 : index
        %get3A_199 = tpu.vector_load %arg17[%get3A_197, %get3A_198] {strides = array<i32>} : memref<128x64xf32, #tpu.memory_space<vmem>>, vector<16xf32>,
        %max3A_200 = arith.maximumf %get3A_196, %get3A_199 : vector<16xf32>
        %max3A_201 = arith.maximumf %max3A_193, %max3A_200 : vector<16xf32>
        %swap3A_202 = arith.index_cast %scan3A_153 : i32 to index
        %swap3A_203 = arith.constant 32 : index
        %swap3A_204 = tpu.vector_load %arg17[%swap3A_202, %swap3A_203] {strides = array<i32>} : memref<128x64xf32, #tpu.memory_space<vmem>>, vector<16xf32>,
        tpu.vector_store %arg17[%swap3A_202, %swap3A_203], %max3A_201 {strides = array<i32>} : memref<128x64xf32, #tpu.memory_space<vmem>>, vector<16xf32>,
        %get3A_205 = arith.index_cast %scan3A_153 : i32 to index
        %get3A_206 = arith.constant 48 : index
        %get3A_207 = tpu.vector_load %arg14[%get3A_205, %get3A_206] {strides = array<i32>} : memref<128x64xf32, #tpu.memory_space<vmem>>, vector<16xf32>,
        %get3A_208 = arith.index_cast %scan3A_153 : i32 to index
        %get3A_209 = arith.constant 48 : index
        %get3A_210 = tpu.vector_load %arg15[%get3A_208, %get3A_209] {strides = array<i32>} : memref<128x64xf32, #tpu.memory_space<vmem>>, vector<16xf32>,
        %max3A_211 = arith.maximumf %get3A_207, %get3A_210 : vector<16xf32>
        %get3A_212 = arith.index_cast %scan3A_153 : i32 to index
        %get3A_213 = arith.constant 48 : index
        %get3A_214 = tpu.vector_load %arg16[%get3A_212, %get3A_213] {strides = array<i32>} : memref<128x64xf32, #tpu.memory_space<vmem>>, vector<16xf32>,
        %get3A_215 = arith.index_cast %scan3A_153 : i32 to index
        %get3A_216 = arith.constant 48 : index
        %get3A_217 = tpu.vector_load %arg17[%get3A_215, %get3A_216] {strides = array<i32>} : memref<128x64xf32, #tpu.memory_space<vmem>>, vector<16xf32>,
        %max3A_218 = arith.maximumf %get3A_214, %get3A_217 : vector<16xf32>
        %max3A_219 = arith.maximumf %max3A_211, %max3A_218 : vector<16xf32>
        %swap3A_220 = arith.index_cast %scan3A_153 : i32 to index
        %swap3A_221 = arith.constant 48 : index
        %swap3A_222 = tpu.vector_load %arg17[%swap3A_220, %swap3A_221] {strides = array<i32>} : memref<128x64xf32, #tpu.memory_space<vmem>>, vector<16xf32>,
        tpu.vector_store %arg17[%swap3A_220, %swap3A_221], %max3A_219 {strides = array<i32>} : memref<128x64xf32, #tpu.memory_space<vmem>>, vector<16xf32>,
        %scan3A_223 = arith.constant 1 : i32
        %scan3A_224 = arith.addi %scan3A_153, %scan3A_223 : i32
        %get3A_225 = arith.index_cast %scan3A_224 : i32 to index
        %get3A_226 = arith.constant 0 : index
        %get3A_227 = tpu.vector_load %arg14[%get3A_225, %get3A_226] {strides = array<i32>} : memref<128x64xf32, #tpu.memory_space<vmem>>, vector<16xf32>,
        %get3A_228 = arith.index_cast %scan3A_224 : i32 to index
        %get3A_229 = arith.constant 0 : index
        %get3A_230 = tpu.vector_load %arg15[%get3A_228, %get3A_229] {strides = array<i32>} : memref<128x64xf32, #tpu.memory_space<vmem>>, vector<16xf32>,
        %max3A_231 = arith.maximumf %get3A_227, %get3A_230 : vector<16xf32>
        %get3A_232 = arith.index_cast %scan3A_224 : i32 to index
        %get3A_233 = arith.constant 0 : index
        %get3A_234 = tpu.vector_load %arg16[%get3A_232, %get3A_233] {strides = array<i32>} : memref<128x64xf32, #tpu.memory_space<vmem>>, vector<16xf32>,
        %get3A_235 = arith.index_cast %scan3A_224 : i32 to index
        %get3A_236 = arith.constant 0 : index
        %get3A_237 = tpu.vector_load %arg17[%get3A_235, %get3A_236] {strides = array<i32>} : memref<128x64xf32, #tpu.memory_space<vmem>>, vector<16xf32>,
        %max3A_238 = arith.maximumf %get3A_234, %get3A_237 : vector<16xf32>
        %max3A_239 = arith.maximumf %max3A_231, %max3A_238 : vector<16xf32>
        %swap3A_240 = arith.index_cast %scan3A_224 : i32 to index
        %swap3A_241 = arith.constant 0 : index
        %swap3A_242 = tpu.vector_load %arg17[%swap3A_240, %swap3A_241] {strides = array<i32>} : memref<128x64xf32, #tpu.memory_space<vmem>>, vector<16xf32>,
        tpu.vector_store %arg17[%swap3A_240, %swap3A_241], %max3A_239 {strides = array<i32>} : memref<128x64xf32, #tpu.memory_space<vmem>>, vector<16xf32>,
        %get3A_243 = arith.index_cast %scan3A_224 : i32 to index
        %get3A_244 = arith.constant 16 : index
        %get3A_245 = tpu.vector_load %arg14[%get3A_243, %get3A_244] {strides = array<i32>} : memref<128x64xf32, #tpu.memory_space<vmem>>, vector<16xf32>,
        %get3A_246 = arith.index_cast %scan3A_224 : i32 to index
        %get3A_247 = arith.constant 16 : index
        %get3A_248 = tpu.vector_load %arg15[%get3A_246, %get3A_247] {strides = array<i32>} : memref<128x64xf32, #tpu.memory_space<vmem>>, vector<16xf32>,
        %max3A_249 = arith.maximumf %get3A_245, %get3A_248 : vector<16xf32>
        %get3A_250 = arith.index_cast %scan3A_224 : i32 to index
        %get3A_251 = arith.constant 16 : index
        %get3A_252 = tpu.vector_load %arg16[%get3A_250, %get3A_251] {strides = array<i32>} : memref<128x64xf32, #tpu.memory_space<vmem>>, vector<16xf32>,
        %get3A_253 = arith.index_cast %scan3A_224 : i32 to index
        %get3A_254 = arith.constant 16 : index
        %get3A_255 = tpu.vector_load %arg17[%get3A_253, %get3A_254] {strides = array<i32>} : memref<128x64xf32, #tpu.memory_space<vmem>>, vector<16xf32>,
        %max3A_256 = arith.maximumf %get3A_252, %get3A_255 : vector<16xf32>
        %max3A_257 = arith.maximumf %max3A_249, %max3A_256 : vector<16xf32>
        %swap3A_258 = arith.index_cast %scan3A_224 : i32 to index
        %swap3A_259 = arith.constant 16 : index
        %swap3A_260 = tpu.vector_load %arg17[%swap3A_258, %swap3A_259] {strides = array<i32>} : memref<128x64xf32, #tpu.memory_space<vmem>>, vector<16xf32>,
        tpu.vector_store %arg17[%swap3A_258, %swap3A_259], %max3A_257 {strides = array<i32>} : memref<128x64xf32, #tpu.memory_space<vmem>>, vector<16xf32>,
        %get3A_261 = arith.index_cast %scan3A_224 : i32 to index
        %get3A_262 = arith.constant 32 : index
        %get3A_263 = tpu.vector_load %arg14[%get3A_261, %get3A_262] {strides = array<i32>} : memref<128x64xf32, #tpu.memory_space<vmem>>, vector<16xf32>,
        %get3A_264 = arith.index_cast %scan3A_224 : i32 to index
        %get3A_265 = arith.constant 32 : index
        %get3A_266 = tpu.vector_load %arg15[%get3A_264, %get3A_265] {strides = array<i32>} : memref<128x64xf32, #tpu.memory_space<vmem>>, vector<16xf32>,
        %max3A_267 = arith.maximumf %get3A_263, %get3A_266 : vector<16xf32>
        %get3A_268 = arith.index_cast %scan3A_224 : i32 to index
        %get3A_269 = arith.constant 32 : index
        %get3A_270 = tpu.vector_load %arg16[%get3A_268, %get3A_269] {strides = array<i32>} : memref<128x64xf32, #tpu.memory_space<vmem>>, vector<16xf32>,
        %get3A_271 = arith.index_cast %scan3A_224 : i32 to index
        %get3A_272 = arith.constant 32 : index
        %get3A_273 = tpu.vector_load %arg17[%get3A_271, %get3A_272] {strides = array<i32>} : memref<128x64xf32, #tpu.memory_space<vmem>>, vector<16xf32>,
        %max3A_274 = arith.maximumf %get3A_270, %get3A_273 : vector<16xf32>
        %max3A_275 = arith.maximumf %max3A_267, %max3A_274 : vector<16xf32>
        %swap3A_276 = arith.index_cast %scan3A_224 : i32 to index
        %swap3A_277 = arith.constant 32 : index
        %swap3A_278 = tpu.vector_load %arg17[%swap3A_276, %swap3A_277] {strides = array<i32>} : memref<128x64xf32, #tpu.memory_space<vmem>>, vector<16xf32>,
        tpu.vector_store %arg17[%swap3A_276, %swap3A_277], %max3A_275 {strides = array<i32>} : memref<128x64xf32, #tpu.memory_space<vmem>>, vector<16xf32>,
        %get3A_279 = arith.index_cast %scan3A_224 : i32 to index
        %get3A_280 = arith.constant 48 : index
        %get3A_281 = tpu.vector_load %arg14[%get3A_279, %get3A_280] {strides = array<i32>} : memref<128x64xf32, #tpu.memory_space<vmem>>, vector<16xf32>,
        %get3A_282 = arith.index_cast %scan3A_224 : i32 to index
        %get3A_283 = arith.constant 48 : index
        %get3A_284 = tpu.vector_load %arg15[%get3A_282, %get3A_283] {strides = array<i32>} : memref<128x64xf32, #tpu.memory_space<vmem>>, vector<16xf32>,
        %max3A_285 = arith.maximumf %get3A_281, %get3A_284 : vector<16xf32>
        %get3A_286 = arith.index_cast %scan3A_224 : i32 to index
        %get3A_287 = arith.constant 48 : index
        %get3A_288 = tpu.vector_load %arg16[%get3A_286, %get3A_287] {strides = array<i32>} : memref<128x64xf32, #tpu.memory_space<vmem>>, vector<16xf32>,
        %get3A_289 = arith.index_cast %scan3A_224 : i32 to index
        %get3A_290 = arith.constant 48 : index
        %get3A_291 = tpu.vector_load %arg17[%get3A_289, %get3A_290] {strides = array<i32>} : memref<128x64xf32, #tpu.memory_space<vmem>>, vector<16xf32>,
        %max3A_292 = arith.maximumf %get3A_288, %get3A_291 : vector<16xf32>
        %max3A_293 = arith.maximumf %max3A_285, %max3A_292 : vector<16xf32>
        %swap3A_294 = arith.index_cast %scan3A_224 : i32 to index
        %swap3A_295 = arith.constant 48 : index
        %swap3A_296 = tpu.vector_load %arg17[%swap3A_294, %swap3A_295] {strides = array<i32>} : memref<128x64xf32, #tpu.memory_space<vmem>>, vector<16xf32>,
        tpu.vector_store %arg17[%swap3A_294, %swap3A_295], %max3A_293 {strides = array<i32>} : memref<128x64xf32, #tpu.memory_space<vmem>>, vector<16xf32>,
      }
      %scan3A_147 = arith.constant 128 : i32
      %mul3A_148 = arith.constant 128 : i32
      %mul3A_149 = arith.muli %add3A_105, %mul3A_148 : i32
      %add3A_150 = arith.addi %sub3A_21, %mul3A_149 : i32
      %dma_start3A_151 = tpu.memref_slice %arg6[%add3A_150, %mul3A_23] : memref<65536x128xf32, #tpu.memory_space<hbm>> -> memref<128x64xf32, #tpu.memory_space<hbm>>
      %dma_start3A_152 = tpu.memref_slice %arg6[%add3A_150, %mul3A_23] : memref<65536x128xf32, #tpu.memory_space<hbm>> -> memref<128x64xf32, #tpu.memory_space<hbm>>
      tpu.enqueue_dma source(%arg17 : memref<128x64xf32, #tpu.memory_space<vmem>>) target(%dma_start3A_152 : memref<128x64xf32, #tpu.memory_space<hbm>>) target_semaphore(%arg20 : memref<!tpu.dma_semaphore, #tpu.memory_space<semaphore_mem>>)
    }
    %scan3A_48 = arith.constant 16 : i32
    %dma_wait3A = arith.constant 0 : i32
    %dma_wait3A_49 = arith.constant 0 : i32
    %dma_wait3A_50 = tpu.memref_slice %arg6[%dma_wait3A, %dma_wait3A_49] : memref<65536x128xf32, #tpu.memory_space<hbm>> -> memref<128x64xf32, #tpu.memory_space<hbm>>
    %dma_wait3A_51 = arith.constant 0 : i32
    %dma_wait3A_52 = arith.constant 0 : i32
    %dma_wait3A_53 = tpu.memref_slice %arg6[%dma_wait3A_51, %dma_wait3A_52] : memref<65536x128xf32, #tpu.memory_space<hbm>> -> memref<128x64xf32, #tpu.memory_space<hbm>>
    tpu.wait_dma2 semaphore(%arg20 : memref<!tpu.dma_semaphore, #tpu.memory_space<semaphore_mem>>) src(%arg13 : memref<128x64xf32, #tpu.memory_space<vmem>>) dst(%dma_wait3A_53 : memref<128x64xf32, #tpu.memory_space<hbm>>)
    return
  }
}

module attributes {stable_mosaic.version = 14 : i64} {
  func.func @_tc_pass1a_body(%arg0: i32, %arg1: i32, %arg2: memref<1x64x4096xf32, #tpu.memory_space<vmem>>, %arg3: memref<1x64x4096xf32, #tpu.memory_space<vmem>>, %arg4: memref<64x64xf32, #tpu.memory_space<vmem>>, %arg5: memref<64x64xf32, #tpu.memory_space<vmem>>, %arg6: memref<1x64x4096xbf16, #tpu.memory_space<vmem>>, %arg7: memref<2x64xf32, #tpu.memory_space<vmem>>) attributes {dimension_semantics = [#tpu.dimension_semantics<arbitrary>, #tpu.dimension_semantics<arbitrary>], iteration_bounds = array<i64: 4, 8>, scalar_prefetch = 0 : i64, scratch_operands = 0 : i64, tpu.core_type = #tpu.core_type<tc>, window_params = [{transform_indices = @transform_0, window_bounds = array<i64: 1, 64, 4096>}, {transform_indices = @transform_1, window_bounds = array<i64: 1, 64, 4096>}, {pipeline_mode = #tpu.pipeline_mode<synchronous>, transform_indices = @transform_2, window_bounds = array<i64: 64, 64>}, {pipeline_mode = #tpu.pipeline_mode<synchronous>, transform_indices = @transform_3, window_bounds = array<i64: 64, 64>}, {transform_indices = @transform_4, window_bounds = array<i64: 1, 64, 4096>}, {pipeline_mode = #tpu.pipeline_mode<synchronous>, transform_indices = @transform_5, window_bounds = array<i64: 2, 64>}]} {
    %get3A = arith.constant 0 : index
    %get3A_0 = arith.constant 0 : index
    %get3A_1 = vector.load %arg4[%get3A, %get3A_0] : memref<64x64xf32, #tpu.memory_space<vmem>>, vector<64x64xf32>
    %get3A_2 = arith.constant 0 : index
    %get3A_3 = arith.constant 0 : index
    %get3A_4 = arith.constant 0 : index
    %get3A_5 = vector.load %arg2[%get3A_2, %get3A_3, %get3A_4] : memref<1x64x4096xf32, #tpu.memory_space<vmem>>, vector<1x64x4096xf32>
    %get3A_6 = vector.shape_cast %get3A_5 : vector<1x64x4096xf32> to vector<64x4096xf32>
    %dot_general3A = arith.constant dense<0.000000e+00> : vector<64x4096xf32>
    %dot_general3A_7 = tpu.matmul %get3A_1, %get3A_6, %dot_general3A {dimension_numbers = #tpu.dot_dimension_numbers<[1], [0], [0], [1], [0, 0, 1, 1], [], []>, transpose_lhs_hint = false} : vector<64x64xf32>, vector<64x4096xf32>, vector<64x4096xf32> -> vector<64x4096xf32>
    %get3A_8 = arith.constant 0 : index
    %get3A_9 = arith.constant 0 : index
    %get3A_10 = vector.load %arg5[%get3A_8, %get3A_9] : memref<64x64xf32, #tpu.memory_space<vmem>>, vector<64x64xf32>
    %get3A_11 = arith.constant 0 : index
    %get3A_12 = arith.constant 0 : index
    %get3A_13 = arith.constant 0 : index
    %get3A_14 = vector.load %arg3[%get3A_11, %get3A_12, %get3A_13] : memref<1x64x4096xf32, #tpu.memory_space<vmem>>, vector<1x64x4096xf32>
    %get3A_15 = vector.shape_cast %get3A_14 : vector<1x64x4096xf32> to vector<64x4096xf32>
    %dot_general3A_16 = arith.constant dense<0.000000e+00> : vector<64x4096xf32>
    %dot_general3A_17 = tpu.matmul %get3A_10, %get3A_15, %dot_general3A_16 {dimension_numbers = #tpu.dot_dimension_numbers<[1], [0], [0], [1], [0, 0, 1, 1], [], []>, transpose_lhs_hint = false} : vector<64x64xf32>, vector<64x4096xf32>, vector<64x4096xf32> -> vector<64x4096xf32>
    %add3A = arith.addf %dot_general3A_7, %dot_general3A_17 : vector<64x4096xf32>
    %convert_element_type3A = arith.truncf %add3A : vector<64x4096xf32> to vector<64x4096xbf16>
    %swap3A = arith.constant 0 : index
    %swap3A_18 = arith.constant 0 : index
    %swap3A_19 = arith.constant 0 : index
    %swap3A_20 = vector.load %arg6[%swap3A, %swap3A_18, %swap3A_19] : memref<1x64x4096xbf16, #tpu.memory_space<vmem>>, vector<1x64x4096xbf16>
    %swap3A_21 = vector.shape_cast %swap3A_20 : vector<1x64x4096xbf16> to vector<64x4096xbf16>
    %swap3A_22 = vector.shape_cast %convert_element_type3A : vector<64x4096xbf16> to vector<1x64x4096xbf16>
    tpu.vector_store %arg6[%swap3A, %swap3A_18, %swap3A_19], %swap3A_22 {strides = array<i32>} : memref<1x64x4096xbf16, #tpu.memory_space<vmem>>, vector<1x64x4096xbf16>,
    %reduce_sum3A = arith.constant dense<0.000000e+00> : vector<64xf32>
    %reduce_sum3A_23 = vector.multi_reduction <add>, %add3A, %reduce_sum3A [1] : vector<64x4096xf32> to vector<64xf32>
    %mul3A = arith.mulf %add3A, %add3A : vector<64x4096xf32>
    %reduce_sum3A_24 = arith.constant dense<0.000000e+00> : vector<64xf32>
    %reduce_sum3A_25 = vector.multi_reduction <add>, %mul3A, %reduce_sum3A_24 [1] : vector<64x4096xf32> to vector<64xf32>
    %stack3A = vector.shape_cast %reduce_sum3A_23 : vector<64xf32> to vector<1x64xf32>
    %stack3A_26 = vector.shape_cast %reduce_sum3A_25 : vector<64xf32> to vector<1x64xf32>
    %stack3A_27 = tpu.concatenate %stack3A, %stack3A_26 in 0 : vector<1x64xf32>, vector<1x64xf32> -> vector<2x64xf32>
    %eq3A = arith.constant 0 : i32
    %eq3A_28 = arith.cmpi eq, %arg0, %eq3A : i32
    %eq3A_29 = arith.constant 0 : i32
    %eq3A_30 = arith.cmpi eq, %arg1, %eq3A_29 : i32
    %and3A = arith.andi %eq3A_28, %eq3A_30 : i1
    %convert_element_type3A_31 = arith.extui %and3A : i1 to i32
    %cond3A = arith.constant 0 : i32
    %cond3A_32 = arith.cmpi ne, %convert_element_type3A_31, %cond3A : i32
    scf.if %cond3A_32 {
      %broadcast_in_dim3A = arith.constant 0.000000e+00 : f32
      %broadcast_in_dim3A_40 = vector.broadcast %broadcast_in_dim3A : f32 to vector<2x64xf32>
      %swap3A_41 = arith.constant 0 : index
      %swap3A_42 = arith.constant 0 : index
      %swap3A_43 = vector.load %arg7[%swap3A_41, %swap3A_42] : memref<2x64xf32, #tpu.memory_space<vmem>>, vector<2x64xf32>
      tpu.vector_store %arg7[%swap3A_41, %swap3A_42], %broadcast_in_dim3A_40 {strides = array<i32>} : memref<2x64xf32, #tpu.memory_space<vmem>>, vector<2x64xf32>,
    } else {
    }
    %get3A_33 = arith.constant 0 : index
    %get3A_34 = arith.constant 0 : index
    %get3A_35 = vector.load %arg7[%get3A_33, %get3A_34] : memref<2x64xf32, #tpu.memory_space<vmem>>, vector<2x64xf32>
    %add3A_36 = arith.addf %get3A_35, %stack3A_27 : vector<2x64xf32>
    %swap3A_37 = arith.constant 0 : index
    %swap3A_38 = arith.constant 0 : index
    %swap3A_39 = vector.load %arg7[%swap3A_37, %swap3A_38] : memref<2x64xf32, #tpu.memory_space<vmem>>, vector<2x64xf32>
    tpu.vector_store %arg7[%swap3A_37, %swap3A_38], %add3A_36 {strides = array<i32>} : memref<2x64xf32, #tpu.memory_space<vmem>>, vector<2x64xf32>,
    return
  }
  func.func @transform_0(%arg0: i32, %arg1: i32) -> (i32, i32, i32) {
    %c0_i32 = arith.constant 0 : i32
    %c0_i32_0 = arith.constant 0 : i32
    return %arg0, %c0_i32, %arg1 : i32, i32, i32
  }
  func.func @transform_1(%arg0: i32, %arg1: i32) -> (i32, i32, i32) {
    %c0_i32 = arith.constant 0 : i32
    %c0_i32_0 = arith.constant 0 : i32
    return %arg0, %c0_i32, %arg1 : i32, i32, i32
  }
  func.func @transform_2(%arg0: i32, %arg1: i32) -> (i32, i32) {
    %c0_i32 = arith.constant 0 : i32
    %c0_i32_0 = arith.constant 0 : i32
    %c0_i32_1 = arith.constant 0 : i32
    return %c0_i32, %c0_i32_0 : i32, i32
  }
  func.func @transform_3(%arg0: i32, %arg1: i32) -> (i32, i32) {
    %c0_i32 = arith.constant 0 : i32
    %c0_i32_0 = arith.constant 0 : i32
    %c0_i32_1 = arith.constant 0 : i32
    return %c0_i32, %c0_i32_0 : i32, i32
  }
  func.func @transform_4(%arg0: i32, %arg1: i32) -> (i32, i32, i32) {
    %c0_i32 = arith.constant 0 : i32
    %c0_i32_0 = arith.constant 0 : i32
    return %arg0, %c0_i32, %arg1 : i32, i32, i32
  }
  func.func @transform_5(%arg0: i32, %arg1: i32) -> (i32, i32) {
    %c0_i32 = arith.constant 0 : i32
    %c0_i32_0 = arith.constant 0 : i32
    %c0_i32_1 = arith.constant 0 : i32
    return %c0_i32, %c0_i32_0 : i32, i32
  }
}

module attributes {stable_mosaic.version = 14 : i64} {
  func.func @_tc_pass1b_body(%arg0: i32, %arg1: memref<4096x128xf32, #tpu.memory_space<vmem>>, %arg2: memref<64x128xf32, #tpu.memory_space<vmem>>, %arg3: memref<64x128xf32, #tpu.memory_space<vmem>>, %arg4: memref<2x1x64x4096xbf16, #tpu.memory_space<vmem>>, %arg5: memref<2x64xf32, #tpu.memory_space<vmem>>) attributes {dimension_semantics = [#tpu.dimension_semantics<arbitrary>], iteration_bounds = array<i64: 16>, scalar_prefetch = 0 : i64, scratch_operands = 0 : i64, tpu.core_type = #tpu.core_type<tc>, window_params = [{transform_indices = @transform_0, window_bounds = array<i64: 4096, 128>}, {pipeline_mode = #tpu.pipeline_mode<synchronous>, transform_indices = @transform_1, window_bounds = array<i64: 64, 128>}, {pipeline_mode = #tpu.pipeline_mode<synchronous>, transform_indices = @transform_2, window_bounds = array<i64: 64, 128>}, {transform_indices = @transform_3, window_bounds = array<i64: 2, 1, 64, 4096>}, {pipeline_mode = #tpu.pipeline_mode<synchronous>, transform_indices = @transform_4, window_bounds = array<i64: 2, 64>}]} {
    %get3A = arith.constant 0 : index
    %get3A_0 = arith.constant 0 : index
    %get3A_1 = vector.load %arg1[%get3A, %get3A_0] : memref<4096x128xf32, #tpu.memory_space<vmem>>, vector<4096x128xf32>
    %get3A_2 = arith.constant 0 : index
    %get3A_3 = arith.constant 0 : index
    %get3A_4 = vector.load %arg2[%get3A_2, %get3A_3] : memref<64x128xf32, #tpu.memory_space<vmem>>, vector<64x128xf32>
    %dot_general3A = arith.constant dense<0.000000e+00> : vector<64x4096xf32>
    %dot_general3A_5 = tpu.matmul %get3A_4, %get3A_1, %dot_general3A {dimension_numbers = #tpu.dot_dimension_numbers<[1], [1], [0], [0], [0, 0, 1, 0], [], []>, transpose_lhs_hint = false} : vector<64x128xf32>, vector<4096x128xf32>, vector<64x4096xf32> -> vector<64x4096xf32>
    %get3A_6 = arith.constant 0 : index
    %get3A_7 = arith.constant 0 : index
    %get3A_8 = vector.load %arg3[%get3A_6, %get3A_7] : memref<64x128xf32, #tpu.memory_space<vmem>>, vector<64x128xf32>
    %dot_general3A_9 = arith.constant dense<0.000000e+00> : vector<64x4096xf32>
    %dot_general3A_10 = tpu.matmul %get3A_8, %get3A_1, %dot_general3A_9 {dimension_numbers = #tpu.dot_dimension_numbers<[1], [1], [0], [0], [0, 0, 1, 0], [], []>, transpose_lhs_hint = false} : vector<64x128xf32>, vector<4096x128xf32>, vector<64x4096xf32> -> vector<64x4096xf32>
    %convert_element_type3A = arith.truncf %dot_general3A_5 : vector<64x4096xf32> to vector<64x4096xbf16>
    %swap3A = arith.constant 0 : index
    %swap3A_11 = arith.constant 0 : index
    %swap3A_12 = arith.constant 0 : index
    %swap3A_13 = arith.constant 0 : index
    %swap3A_14 = vector.load %arg4[%swap3A, %swap3A_11, %swap3A_12, %swap3A_13] : memref<2x1x64x4096xbf16, #tpu.memory_space<vmem>>, vector<1x1x64x4096xbf16>
    %swap3A_15 = vector.shape_cast %swap3A_14 : vector<1x1x64x4096xbf16> to vector<64x4096xbf16>
    %swap3A_16 = vector.shape_cast %convert_element_type3A : vector<64x4096xbf16> to vector<1x1x64x4096xbf16>
    tpu.vector_store %arg4[%swap3A, %swap3A_11, %swap3A_12, %swap3A_13], %swap3A_16 {strides = array<i32>} : memref<2x1x64x4096xbf16, #tpu.memory_space<vmem>>, vector<1x1x64x4096xbf16>,
    %convert_element_type3A_17 = arith.truncf %dot_general3A_10 : vector<64x4096xf32> to vector<64x4096xbf16>
    %swap3A_18 = arith.constant 1 : index
    %swap3A_19 = arith.constant 0 : index
    %swap3A_20 = arith.constant 0 : index
    %swap3A_21 = arith.constant 0 : index
    %swap3A_22 = vector.load %arg4[%swap3A_18, %swap3A_19, %swap3A_20, %swap3A_21] : memref<2x1x64x4096xbf16, #tpu.memory_space<vmem>>, vector<1x1x64x4096xbf16>
    %swap3A_23 = vector.shape_cast %swap3A_22 : vector<1x1x64x4096xbf16> to vector<64x4096xbf16>
    %swap3A_24 = vector.shape_cast %convert_element_type3A_17 : vector<64x4096xbf16> to vector<1x1x64x4096xbf16>
    tpu.vector_store %arg4[%swap3A_18, %swap3A_19, %swap3A_20, %swap3A_21], %swap3A_24 {strides = array<i32>} : memref<2x1x64x4096xbf16, #tpu.memory_space<vmem>>, vector<1x1x64x4096xbf16>,
    %reduce_sum3A = arith.constant dense<0.000000e+00> : vector<64xf32>
    %reduce_sum3A_25 = vector.multi_reduction <add>, %dot_general3A_5, %reduce_sum3A [1] : vector<64x4096xf32> to vector<64xf32>
    %reduce_sum3A_26 = arith.constant dense<0.000000e+00> : vector<64xf32>
    %reduce_sum3A_27 = vector.multi_reduction <add>, %dot_general3A_10, %reduce_sum3A_26 [1] : vector<64x4096xf32> to vector<64xf32>
    %add3A = arith.addf %reduce_sum3A_25, %reduce_sum3A_27 : vector<64xf32>
    %mul3A = arith.mulf %dot_general3A_5, %dot_general3A_5 : vector<64x4096xf32>
    %reduce_sum3A_28 = arith.constant dense<0.000000e+00> : vector<64xf32>
    %reduce_sum3A_29 = vector.multi_reduction <add>, %mul3A, %reduce_sum3A_28 [1] : vector<64x4096xf32> to vector<64xf32>
    %mul3A_30 = arith.mulf %dot_general3A_10, %dot_general3A_10 : vector<64x4096xf32>
    %reduce_sum3A_31 = arith.constant dense<0.000000e+00> : vector<64xf32>
    %reduce_sum3A_32 = vector.multi_reduction <add>, %mul3A_30, %reduce_sum3A_31 [1] : vector<64x4096xf32> to vector<64xf32>
    %add3A_33 = arith.addf %reduce_sum3A_29, %reduce_sum3A_32 : vector<64xf32>
    %stack3A = vector.shape_cast %add3A : vector<64xf32> to vector<1x64xf32>
    %stack3A_34 = vector.shape_cast %add3A_33 : vector<64xf32> to vector<1x64xf32>
    %stack3A_35 = tpu.concatenate %stack3A, %stack3A_34 in 0 : vector<1x64xf32>, vector<1x64xf32> -> vector<2x64xf32>
    %eq3A = arith.constant 0 : i32
    %eq3A_36 = arith.cmpi eq, %arg0, %eq3A : i32
    %convert_element_type3A_37 = arith.extui %eq3A_36 : i1 to i32
    %cond3A = arith.constant 0 : i32
    %cond3A_38 = arith.cmpi ne, %convert_element_type3A_37, %cond3A : i32
    scf.if %cond3A_38 {
      %broadcast_in_dim3A = arith.constant 0.000000e+00 : f32
      %broadcast_in_dim3A_46 = vector.broadcast %broadcast_in_dim3A : f32 to vector<2x64xf32>
      %swap3A_47 = arith.constant 0 : index
      %swap3A_48 = arith.constant 0 : index
      %swap3A_49 = vector.load %arg5[%swap3A_47, %swap3A_48] : memref<2x64xf32, #tpu.memory_space<vmem>>, vector<2x64xf32>
      tpu.vector_store %arg5[%swap3A_47, %swap3A_48], %broadcast_in_dim3A_46 {strides = array<i32>} : memref<2x64xf32, #tpu.memory_space<vmem>>, vector<2x64xf32>,
    } else {
    }
    %get3A_39 = arith.constant 0 : index
    %get3A_40 = arith.constant 0 : index
    %get3A_41 = vector.load %arg5[%get3A_39, %get3A_40] : memref<2x64xf32, #tpu.memory_space<vmem>>, vector<2x64xf32>
    %add3A_42 = arith.addf %get3A_41, %stack3A_35 : vector<2x64xf32>
    %swap3A_43 = arith.constant 0 : index
    %swap3A_44 = arith.constant 0 : index
    %swap3A_45 = vector.load %arg5[%swap3A_43, %swap3A_44] : memref<2x64xf32, #tpu.memory_space<vmem>>, vector<2x64xf32>
    tpu.vector_store %arg5[%swap3A_43, %swap3A_44], %add3A_42 {strides = array<i32>} : memref<2x64xf32, #tpu.memory_space<vmem>>, vector<2x64xf32>,
    return
  }
  func.func @transform_0(%arg0: i32) -> (i32, i32) {
    %c0_i32 = arith.constant 0 : i32
    %c0_i32_0 = arith.constant 0 : i32
    return %arg0, %c0_i32 : i32, i32
  }
  func.func @transform_1(%arg0: i32) -> (i32, i32) {
    %c0_i32 = arith.constant 0 : i32
    %c0_i32_0 = arith.constant 0 : i32
    %c0_i32_1 = arith.constant 0 : i32
    return %c0_i32, %c0_i32_0 : i32, i32
  }
  func.func @transform_2(%arg0: i32) -> (i32, i32) {
    %c0_i32 = arith.constant 0 : i32
    %c0_i32_0 = arith.constant 0 : i32
    %c0_i32_1 = arith.constant 0 : i32
    return %c0_i32, %c0_i32_0 : i32, i32
  }
  func.func @transform_3(%arg0: i32) -> (i32, i32, i32, i32) {
    %jit3A = arith.constant 8 : i32
    %div3A = arith.divsi %arg0, %jit3A : i32
    %sign3A = arith.constant 0 : i32
    %sign3A_0 = arith.cmpi sgt, %arg0, %sign3A : i32
    %sign3A_1 = arith.extui %sign3A_0 : i1 to i32
    %sign3A_2 = arith.constant 0 : i32
    %sign3A_3 = arith.cmpi slt, %arg0, %sign3A_2 : i32
    %sign3A_4 = arith.extui %sign3A_3 : i1 to i32
    %sign3A_5 = arith.subi %sign3A_1, %sign3A_4 : i32
    %sign3A_6 = arith.constant 0 : i32
    %sign3A_7 = arith.cmpi sgt, %jit3A, %sign3A_6 : i32
    %sign3A_8 = arith.extui %sign3A_7 : i1 to i32
    %sign3A_9 = arith.constant 0 : i32
    %sign3A_10 = arith.cmpi slt, %jit3A, %sign3A_9 : i32
    %sign3A_11 = arith.extui %sign3A_10 : i1 to i32
    %sign3A_12 = arith.subi %sign3A_8, %sign3A_11 : i32
    %ne3A = arith.cmpi ne, %sign3A_5, %sign3A_12 : i32
    %rem3A = arith.remsi %arg0, %jit3A : i32
    %ne3A_13 = arith.constant 0 : i32
    %ne3A_14 = arith.cmpi ne, %rem3A, %ne3A_13 : i32
    %and3A = arith.andi %ne3A, %ne3A_14 : i1
    %sub3A = arith.constant 1 : i32
    %sub3A_15 = arith.subi %div3A, %sub3A : i32
    %select_n3A = arith.select %and3A, %sub3A_15, %div3A : i32
    %jit3A_16 = arith.constant 8 : i32
    %eq3A = arith.constant 0 : i32
    %eq3A_17 = arith.cmpi eq, %jit3A_16, %eq3A : i32
    %jit3A_18 = arith.constant 1 : i32
    %select_n3A_19 = arith.select %eq3A_17, %jit3A_18, %jit3A_16 : i32
    %rem3A_20 = arith.remsi %arg0, %select_n3A_19 : i32
    %ne3A_21 = arith.constant 0 : i32
    %ne3A_22 = arith.cmpi ne, %rem3A_20, %ne3A_21 : i32
    %lt3A = arith.constant 0 : i32
    %lt3A_23 = arith.cmpi slt, %rem3A_20, %lt3A : i32
    %lt3A_24 = arith.constant 0 : i32
    %lt3A_25 = arith.cmpi slt, %select_n3A_19, %lt3A_24 : i32
    %ne3A_26 = arith.xori %lt3A_23, %lt3A_25 : i1
    %and3A_27 = arith.andi %ne3A_26, %ne3A_22 : i1
    %add3A = arith.addi %rem3A_20, %select_n3A_19 : i32
    %select_n3A_28 = arith.select %and3A_27, %add3A, %rem3A_20 : i32
    %c0_i32 = arith.constant 0 : i32
    %c0_i32_29 = arith.constant 0 : i32
    %c0_i32_30 = arith.constant 0 : i32
    return %c0_i32, %select_n3A, %c0_i32_29, %select_n3A_28 : i32, i32, i32, i32
  }
  func.func @transform_4(%arg0: i32) -> (i32, i32) {
    %c0_i32 = arith.constant 0 : i32
    %c0_i32_0 = arith.constant 0 : i32
    %c0_i32_1 = arith.constant 0 : i32
    return %c0_i32, %c0_i32_0 : i32, i32
  }
}

module attributes {stable_mosaic.version = 14 : i64} {
  func.func @_tc_pass2_body(%arg0: i32, %arg1: i32, %arg2: memref<1x64x4096xbf16, #tpu.memory_space<vmem>>, %arg3: memref<1x1x64x4096xbf16, #tpu.memory_space<vmem>>, %arg4: memref<4x64xf32, #tpu.memory_space<vmem>>, %arg5: memref<1x64x4096xf32, #tpu.memory_space<vmem>>, %arg6: memref<1x64x4096xf32, #tpu.memory_space<vmem>>) attributes {dimension_semantics = [#tpu.dimension_semantics<arbitrary>, #tpu.dimension_semantics<arbitrary>], iteration_bounds = array<i64: 4, 8>, scalar_prefetch = 0 : i64, scratch_operands = 0 : i64, tpu.core_type = #tpu.core_type<tc>, window_params = [{transform_indices = @transform_0, window_bounds = array<i64: 1, 64, 4096>}, {transform_indices = @transform_1, window_bounds = array<i64: 1, 1, 64, 4096>}, {pipeline_mode = #tpu.pipeline_mode<synchronous>, transform_indices = @transform_2, window_bounds = array<i64: 4, 64>}, {transform_indices = @transform_3, window_bounds = array<i64: 1, 64, 4096>}, {transform_indices = @transform_4, window_bounds = array<i64: 1, 64, 4096>}]} {
    %get3A = arith.constant 0 : index
    %get3A_0 = arith.constant 0 : index
    %get3A_1 = vector.load %arg4[%get3A, %get3A_0] : memref<4x64xf32, #tpu.memory_space<vmem>>, vector<1x64xf32>
    %get3A_2 = vector.shape_cast %get3A_1 : vector<1x64xf32> to vector<64xf32>
    %get3A_3 = arith.constant 1 : index
    %get3A_4 = arith.constant 0 : index
    %get3A_5 = vector.load %arg4[%get3A_3, %get3A_4] : memref<4x64xf32, #tpu.memory_space<vmem>>, vector<1x64xf32>
    %get3A_6 = vector.shape_cast %get3A_5 : vector<1x64xf32> to vector<64xf32>
    %get3A_7 = arith.constant 2 : index
    %get3A_8 = arith.constant 0 : index
    %get3A_9 = vector.load %arg4[%get3A_7, %get3A_8] : memref<4x64xf32, #tpu.memory_space<vmem>>, vector<1x64xf32>
    %get3A_10 = vector.shape_cast %get3A_9 : vector<1x64xf32> to vector<64xf32>
    %get3A_11 = arith.constant 3 : index
    %get3A_12 = arith.constant 0 : index
    %get3A_13 = vector.load %arg4[%get3A_11, %get3A_12] : memref<4x64xf32, #tpu.memory_space<vmem>>, vector<1x64xf32>
    %get3A_14 = vector.shape_cast %get3A_13 : vector<1x64xf32> to vector<64xf32>
    %get3A_15 = arith.constant 0 : index
    %get3A_16 = arith.constant 0 : index
    %get3A_17 = arith.constant 0 : index
    %get3A_18 = vector.load %arg2[%get3A_15, %get3A_16, %get3A_17] : memref<1x64x4096xbf16, #tpu.memory_space<vmem>>, vector<1x64x4096xbf16>
    %get3A_19 = vector.shape_cast %get3A_18 : vector<1x64x4096xbf16> to vector<64x4096xbf16>
    %convert_element_type3A = arith.extf %get3A_19 : vector<64x4096xbf16> to vector<64x4096xf32>
    %get3A_20 = arith.constant 0 : index
    %get3A_21 = arith.constant 0 : index
    %get3A_22 = arith.constant 0 : index
    %get3A_23 = arith.constant 0 : index
    %get3A_24 = vector.load %arg3[%get3A_20, %get3A_21, %get3A_22, %get3A_23] : memref<1x1x64x4096xbf16, #tpu.memory_space<vmem>>, vector<1x1x64x4096xbf16>
    %get3A_25 = vector.shape_cast %get3A_24 : vector<1x1x64x4096xbf16> to vector<64x4096xbf16>
    %convert_element_type3A_26 = arith.extf %get3A_25 : vector<64x4096xbf16> to vector<64x4096xf32>
    %broadcast_in_dim3A = vector.shape_cast %get3A_2 : vector<64xf32> to vector<64x1xf32>
    %mul3A = vector.broadcast %broadcast_in_dim3A : vector<64x1xf32> to vector<64x4096xf32>
    %mul3A_27 = arith.mulf %convert_element_type3A, %mul3A : vector<64x4096xf32>
    %broadcast_in_dim3A_28 = vector.shape_cast %get3A_6 : vector<64xf32> to vector<64x1xf32>
    %add3A = vector.broadcast %broadcast_in_dim3A_28 : vector<64x1xf32> to vector<64x4096xf32>
    %add3A_29 = arith.addf %mul3A_27, %add3A : vector<64x4096xf32>
    %max3A = arith.constant 0.000000e+00 : f32
    %max3A_30 = vector.broadcast %max3A : f32 to vector<64x4096xf32>
    %max3A_31 = arith.maximumf %add3A_29, %max3A_30 : vector<64x4096xf32>
    %swap3A = arith.constant 0 : index
    %swap3A_32 = arith.constant 0 : index
    %swap3A_33 = arith.constant 0 : index
    %swap3A_34 = vector.load %arg5[%swap3A, %swap3A_32, %swap3A_33] : memref<1x64x4096xf32, #tpu.memory_space<vmem>>, vector<1x64x4096xf32>
    %swap3A_35 = vector.shape_cast %swap3A_34 : vector<1x64x4096xf32> to vector<64x4096xf32>
    %swap3A_36 = vector.shape_cast %max3A_31 : vector<64x4096xf32> to vector<1x64x4096xf32>
    tpu.vector_store %arg5[%swap3A, %swap3A_32, %swap3A_33], %swap3A_36 {strides = array<i32>} : memref<1x64x4096xf32, #tpu.memory_space<vmem>>, vector<1x64x4096xf32>,
    %broadcast_in_dim3A_37 = vector.shape_cast %get3A_10 : vector<64xf32> to vector<64x1xf32>
    %mul3A_38 = vector.broadcast %broadcast_in_dim3A_37 : vector<64x1xf32> to vector<64x4096xf32>
    %mul3A_39 = arith.mulf %convert_element_type3A_26, %mul3A_38 : vector<64x4096xf32>
    %broadcast_in_dim3A_40 = vector.shape_cast %get3A_14 : vector<64xf32> to vector<64x1xf32>
    %add3A_41 = vector.broadcast %broadcast_in_dim3A_40 : vector<64x1xf32> to vector<64x4096xf32>
    %add3A_42 = arith.addf %mul3A_39, %add3A_41 : vector<64x4096xf32>
    %max3A_43 = arith.constant 0.000000e+00 : f32
    %max3A_44 = vector.broadcast %max3A_43 : f32 to vector<64x4096xf32>
    %max3A_45 = arith.maximumf %add3A_42, %max3A_44 : vector<64x4096xf32>
    %swap3A_46 = arith.constant 0 : index
    %swap3A_47 = arith.constant 0 : index
    %swap3A_48 = arith.constant 0 : index
    %swap3A_49 = vector.load %arg6[%swap3A_46, %swap3A_47, %swap3A_48] : memref<1x64x4096xf32, #tpu.memory_space<vmem>>, vector<1x64x4096xf32>
    %swap3A_50 = vector.shape_cast %swap3A_49 : vector<1x64x4096xf32> to vector<64x4096xf32>
    %swap3A_51 = vector.shape_cast %max3A_45 : vector<64x4096xf32> to vector<1x64x4096xf32>
    tpu.vector_store %arg6[%swap3A_46, %swap3A_47, %swap3A_48], %swap3A_51 {strides = array<i32>} : memref<1x64x4096xf32, #tpu.memory_space<vmem>>, vector<1x64x4096xf32>,
    return
  }
  func.func @transform_0(%arg0: i32, %arg1: i32) -> (i32, i32, i32) {
    %c0_i32 = arith.constant 0 : i32
    %c0_i32_0 = arith.constant 0 : i32
    return %arg0, %c0_i32, %arg1 : i32, i32, i32
  }
  func.func @transform_1(%arg0: i32, %arg1: i32) -> (i32, i32, i32, i32) {
    %jit3A = arith.constant 2 : i32
    %div3A = arith.divsi %arg0, %jit3A : i32
    %sign3A = arith.constant 0 : i32
    %sign3A_0 = arith.cmpi sgt, %arg0, %sign3A : i32
    %sign3A_1 = arith.extui %sign3A_0 : i1 to i32
    %sign3A_2 = arith.constant 0 : i32
    %sign3A_3 = arith.cmpi slt, %arg0, %sign3A_2 : i32
    %sign3A_4 = arith.extui %sign3A_3 : i1 to i32
    %sign3A_5 = arith.subi %sign3A_1, %sign3A_4 : i32
    %sign3A_6 = arith.constant 0 : i32
    %sign3A_7 = arith.cmpi sgt, %jit3A, %sign3A_6 : i32
    %sign3A_8 = arith.extui %sign3A_7 : i1 to i32
    %sign3A_9 = arith.constant 0 : i32
    %sign3A_10 = arith.cmpi slt, %jit3A, %sign3A_9 : i32
    %sign3A_11 = arith.extui %sign3A_10 : i1 to i32
    %sign3A_12 = arith.subi %sign3A_8, %sign3A_11 : i32
    %ne3A = arith.cmpi ne, %sign3A_5, %sign3A_12 : i32
    %rem3A = arith.remsi %arg0, %jit3A : i32
    %ne3A_13 = arith.constant 0 : i32
    %ne3A_14 = arith.cmpi ne, %rem3A, %ne3A_13 : i32
    %and3A = arith.andi %ne3A, %ne3A_14 : i1
    %sub3A = arith.constant 1 : i32
    %sub3A_15 = arith.subi %div3A, %sub3A : i32
    %select_n3A = arith.select %and3A, %sub3A_15, %div3A : i32
    %jit3A_16 = arith.constant 2 : i32
    %eq3A = arith.constant 0 : i32
    %eq3A_17 = arith.cmpi eq, %jit3A_16, %eq3A : i32
    %jit3A_18 = arith.constant 1 : i32
    %select_n3A_19 = arith.select %eq3A_17, %jit3A_18, %jit3A_16 : i32
    %rem3A_20 = arith.remsi %arg0, %select_n3A_19 : i32
    %ne3A_21 = arith.constant 0 : i32
    %ne3A_22 = arith.cmpi ne, %rem3A_20, %ne3A_21 : i32
    %lt3A = arith.constant 0 : i32
    %lt3A_23 = arith.cmpi slt, %rem3A_20, %lt3A : i32
    %lt3A_24 = arith.constant 0 : i32
    %lt3A_25 = arith.cmpi slt, %select_n3A_19, %lt3A_24 : i32
    %ne3A_26 = arith.xori %lt3A_23, %lt3A_25 : i1
    %and3A_27 = arith.andi %ne3A_26, %ne3A_22 : i1
    %add3A = arith.addi %rem3A_20, %select_n3A_19 : i32
    %select_n3A_28 = arith.select %and3A_27, %add3A, %rem3A_20 : i32
    %c0_i32 = arith.constant 0 : i32
    %c0_i32_29 = arith.constant 0 : i32
    return %select_n3A, %select_n3A_28, %c0_i32, %arg1 : i32, i32, i32, i32
  }
  func.func @transform_2(%arg0: i32, %arg1: i32) -> (i32, i32) {
    %c0_i32 = arith.constant 0 : i32
    %c0_i32_0 = arith.constant 0 : i32
    %c0_i32_1 = arith.constant 0 : i32
    return %c0_i32, %c0_i32_0 : i32, i32
  }
  func.func @transform_3(%arg0: i32, %arg1: i32) -> (i32, i32, i32) {
    %c0_i32 = arith.constant 0 : i32
    %c0_i32_0 = arith.constant 0 : i32
    return %arg0, %c0_i32, %arg1 : i32, i32, i32
  }
  func.func @transform_4(%arg0: i32, %arg1: i32) -> (i32, i32, i32) {
    %c0_i32 = arith.constant 0 : i32
    %c0_i32_0 = arith.constant 0 : i32
    return %arg0, %c0_i32, %arg1 : i32, i32, i32
  }
}

</mosaic_0001>

<sc_bundles>
// kernel: kernel.6.cloned.1.call-start
scs
__scs_entry_jumppad:
0x0: {  	(pc) =	sbr.rel $0x88, $3  }
0x1: {  	(tag) =	ssettag $0x0;
	lr =	simm.s32 $0x1  }
0x2: {  	[smem:$0x3F98] =	sst lr;
	_ =	strace $0xD0000000  }
0x3: {  	_ = 	snop  }
0x4: {  	_ = 	snop  }
0x5: {  	_ = 	snop  }
0x6: {  	_ = 	snop  }
0x7: {  	_ = 	snop  }
__scs_overlays_trampoline_lowered:
0x8: {  	[smem:$0x3FA7] =	sst s0  }
0x9: {  	[smem:$0x3FA8] =	sst s1  }
0xa: {  	[smem:$0x3FA9] =	sst s2  }
0xb: {  	[smem:$0x3FAA] =	sst s3  }
0xc: {  	[smem:$0x3FAB] =	sst s4  }
0xd: {  	[smem:$0x3FAC] =	sst s5  }
0xe: {  	[smem:$0x3FAD] =	sst s6  }
0xf: {  	[smem:$0x3FAE] =	sst s7  }
0x10: {  	[smem:$0x3FAF] =	sst s8  }
0x11: {  	[smem:$0x3FB0] =	sst s9;
	s0 =	simm.s32 @!p0 $0x0  }
0x12: {  	s1 =	sld [smem:$0x3F96];
	s0 =	simm.s32 @p0 $0x1  }
0x13: {  	[smem:$0x3FB1] =	sst s0;
	s0 =	simm.s32 @!p1 $0x0  }
0x14: {  	s2 =	sld [smem:$0x3F95];
	s0 =	simm.s32 @p1 $0x1  }
0x15: {  	[smem:$0x3FB2] =	sst s0;
	s0 =	simm.s32 @!p2 $0x0  }
0x16: {  	s3 =	sld [smem:$0x3FDB];
	s0 =	simm.s32 @p2 $0x1  }
0x17: {  	s4 =	simm.s32 $0x1BF5;
	[smem:$0x3FB4] =	sst s0  }
0x18: {  	s0 =	sld [smem:$0x3F97];
	_ =	swait.ge [sflag:s4], $0x0  }
0x19: {  	s7 =	sld [smem:$0x3F98]  }
0x1a: {  	s8 =	sadd.s32 $0xFFFFE003, lr  }
0x1b: {  	s9 =	sadd.s32 $0xFFFFFEF7, lr;
	s5 =	simm.s32 $0xFFFFFFFF;
	p2 =	slt.u32 s8, $0xFFFFF086  }
0x1c: {  	p1 =	slt.u32 s9, $0xF7A;
	s5 =	simm.s32 @!p2 $0x0  }
0x1d: {  	s5 =	simm.s32 @p1 $0x1;
	p0 =	seq.s32 s7, s2  }
0x1e: {  	s7 =	smul.u32 @!p0 $0xF7A, s2;
	p2 =	seq.s32 @!p0 s5, $0x0  }
0x1f: {  	s9 =	smul.u32 $0xF7A, s1;
	s8 =	simm.s32 @!p0 $0x1BF5;
	p2 =	por !p2, p0  }
0x20: {  	[sflag:s8] =	ssyncset.s32 @!p0 $0xFFFFF086;
	s6 =	sadd.s32 @!p0 s3, s7;
	s7 =	simm.s32 @!p0 $0x108  }
0x21: {  	s3 =	sadd.s32 s3, s9;
	s6 =	sadd.s32 @!p0 $0x88, s6;
	s7 =	simm.s32 @p2 $0x1082  }
0x22: {  	[simem:s7], [sflag:s8] =	dma.local @!p0 [hbm:s6], $0xF7A  }
0x23: {  	s9 =	sor.u32 $0xD0000000, s2;
	s6 =	simm.s32 $0x108;
	_ =	swait.ge @!p0 [sflag:s8], $0x0  }
0x24: {  	s3 =	sadd.s32 $0x88, s3;
	s6 =	simm.s32 @!p1 $0x1082;
	[sflag:s4] =	ssyncset.s32 $0xFFFFF086  }
0x25: {  	[simem:s6], [sflag:s4] =	dma.local [hbm:s3], $0xF7A  }
0x26: {  	[smem:$0x3F98] =	sst s1;
	(tag) =	ssettag s2;
	_ =	strace s9  }
0x27: {  	s1 =	sld [smem:$0x3FA8]  }
0x28: {  	s2 =	sld [smem:$0x3FA9]  }
0x29: {  	s4 =	sld [smem:$0x3FAB]  }
0x2a: {  	p0 =	seq.s32 s5, $0x0;
	s5 =	sld [smem:$0x3FAC]  }
0x2b: {  	s6 =	sld [smem:$0x3FAD]  }
0x2c: {  	s7 =	sld [smem:$0x3FAE]  }
0x2d: {  	s3 =	simm.s32 $0x108;
	s8 =	sld [smem:$0x3FAF]  }
0x2e: {  	s3 =	simm.s32 @!p0 $0x1082;
	s9 =	sld [smem:$0x3FB0]  }
0x2f: {  	lr =	sadd.s32 s0, s3;
	s0 =	sld [smem:$0x3FA7]  }
0x30: {  	s3 =	sld [smem:$0x3FAA]  }
0x31: {  	[smem:$0x3FB3] =	sst s10  }
0x32: {  	s10 =	sld [smem:$0x3FB1];
	_ =	sdelay $0x3  }
0x33: {  	p0 =	seq.s32 s10, $0x1;
	s10 =	sld [smem:$0x3FB3];
	_ =	sdelay $0x3  }
0x34: {  	[smem:$0x3FB3] =	sst s10  }
0x35: {  	s10 =	sld [smem:$0x3FB2];
	_ =	sdelay $0x3  }
0x36: {  	p1 =	seq.s32 s10, $0x1;
	s10 =	sld [smem:$0x3FB3];
	_ =	sdelay $0x3  }
0x37: {  	[smem:$0x3FB3] =	sst s10  }
0x38: {  	s10 =	sld [smem:$0x3FB4]  }
0x39: {  	_ = 	snop;
	(pc) =	sbr.ind lr, $3  }
0x3a: {  	_ = 	snop  }
0x3b: {  	_ = 	snop  }
0x3c: {  	p2 =	seq.s32 s10, $0x1;
	s10 =	sld [smem:$0x3FB3]  }
0x3d: {  	_ =	shalt  }
0x3e: {  	_ =	shalt  }
0x3f: {  	_ =	shalt  }
0x40: {  	_ =	shalt  }
0x41: {  	_ =	shalt  }
0x42: {  	_ =	shalt  }
0x43: {  	_ =	shalt  }
0x44: {  	_ =	shalt  }
0x45: {  	_ =	shalt  }
0x46: {  	_ =	shalt  }
0x47: {  	_ =	shalt  }
0x48: {  	_ =	shalt  }
0x49: {  	_ =	shalt  }
0x4a: {  	_ =	shalt  }
0x4b: {  	_ =	shalt  }
0x4c: {  	_ =	shalt  }
0x4d: {  	_ =	shalt  }
0x4e: {  	_ =	shalt  }
0x4f: {  	_ =	shalt  }
0x50: {  	_ =	shalt  }
0x51: {  	_ =	shalt  }
0x52: {  	_ =	shalt  }
0x53: {  	_ =	shalt  }
0x54: {  	_ =	shalt  }
0x55: {  	_ =	shalt  }
0x56: {  	_ =	shalt  }
0x57: {  	_ =	shalt  }
0x58: {  	_ =	shalt  }
0x59: {  	_ =	shalt  }
0x5a: {  	_ =	shalt  }
0x5b: {  	_ =	shalt  }
0x5c: {  	_ =	shalt  }
0x5d: {  	_ =	shalt  }
0x5e: {  	_ =	shalt  }
0x5f: {  	_ =	shalt  }
0x60: {  	_ =	shalt  }
0x61: {  	_ =	shalt  }
0x62: {  	_ =	shalt  }
0x63: {  	_ =	shalt  }
0x64: {  	_ =	shalt  }
0x65: {  	_ =	shalt  }
0x66: {  	_ =	shalt  }
0x67: {  	_ =	shalt  }
0x68: {  	_ =	shalt  }
0x69: {  	_ =	shalt  }
0x6a: {  	_ =	shalt  }
0x6b: {  	_ =	shalt  }
0x6c: {  	_ =	shalt  }
0x6d: {  	_ =	shalt  }
0x6e: {  	_ =	shalt  }
0x6f: {  	_ =	shalt  }
0x70: {  	_ =	shalt  }
0x71: {  	_ =	shalt  }
0x72: {  	_ =	shalt  }
0x73: {  	_ =	shalt  }
0x74: {  	_ =	shalt  }
0x75: {  	_ =	shalt  }
0x76: {  	_ =	shalt  }
0x77: {  	_ =	shalt  }
0x78: {  	_ =	shalt  }
0x79: {  	_ =	shalt  }
0x7a: {  	_ =	shalt  }
0x7b: {  	_ =	shalt  }
0x7c: {  	_ =	shalt  }
0x7d: {  	_ =	shalt  }
0x7e: {  	_ =	shalt  }
0x7f: {  	_ =	shalt  }
0x80: {  	_ =	shalt  }
0x81: {  	_ =	shalt  }
0x82: {  	_ =	shalt  }
0x83: {  	_ =	shalt  }
0x84: {  	_ =	shalt  }
0x85: {  	_ =	shalt  }
0x86: {  	_ =	shalt  }
0x87: {  	_ =	shalt  }
.Lfunc_end0:
.L_simem_size_0:
called_computation.1_lowered:
.L_overlay_start_0:
0x88: {  	s2 =	sld [smem:$0x3FD9]  }
0x89: {  	s3 =	sld [smem:$0x3FFE];
	_ =	sdelay $0x1  }
0x8a: {  	s1 =	srdreg.scid  }
0x8b: {  	s0 =	sand.u32 $0x1, s1  }
0x8c: {  	s14 =	sshll.u32 s0, $0xA;
	s2 =	sadd.s32 s3, s2  }
0x8d: {  	s2 =	sadd.s32 s2, s14  }
0x8e: {  	[smem:$0x3FBF] =	sst s2  }
0x8f: {  	_ = 	snop  }
0x90: {  	s2 =	sld [smem:$0x3FD0];
	_ =	sdelay $0x2  }
0x91: {  	s15 =	simm.s32 $0xA;
	s4 =	simm.s32 $0x10  }
0x92: {  	[smem:s4], [sflag:s15] =	dma.local [hbm:s2], $0x1  }
0x93: {  	_ =	swait.eq [sflag:s15], $0x1  }
0x94: {  	[sflag:s15] =	ssyncset.done $0x0  }
0x95: {  	s16 =	sld [smem:$0x10];
	[sflag:s15] =	ssyncadd.s32 $0xFFFFFFFF  }
0x96: {  	s17 =	sld [smem:$0x11];
	(tm) =	ssettm $0x1  }
0x97: {  	s18 =	sld [smem:$0x3FFB];
	_ =	sdelay $0x3  }
0x98: {  	_ =	strace s18  }
0x99: {  	s4 =	sld [smem:$0x3FFC];
	_ =	sdelay $0x3  }
0x9a: {  	_ =	strace s4  }
0x9b: {  	s4 =	sld [smem:$0x3FFD];
	_ =	sdelay $0x3  }
0x9c: {  	_ =	strace s4  }
0x9d: {  	_ =	strace $0x8FFFFFFF  }
0x9e: {  	s19 =	sld [smem:$0x3FDB];
	_ =	sdelay $0x1  }
0x9f: {  	s5 =	simm.s32 $_scs_section_size  }
0xa0: {  	s6 =	simm.s32 $_size__tile_overlayer_lowered;
	s7 =	simm.s32 $_tile_overlayer_lowered  }
0xa1: {  	s22 =	simm.s32 $0x1BFF;
	s21 =	sshll.u32 s7, $0x1;
	s4 =	sadd.s32 s5, s19  }
0xa2: {  	s8 =	simm.s32 $0x0;
	s20 =	sshll.u32 s6, $0x1;
	s6 =	sadd.s32 s21, s4  }
0xa3: {  	[timem:s8], [sflag:s22] =	dma.local [hbm:s6], s20  }
0xa4: {  	_ =	swait.ge [sflag:s22], s20  }
0xa5: {  	s5 =	ssub.s32 $0x0, s20;
	[sflag:s22] =	ssyncset.done $0x0  }
0xa6: {  	[sflag:s22] =	ssyncadd.s32 s5;
	_ =	sdelay $0x1  }
0xa7: {  	s23 =	simm.s32 $0x1B8B  }
0xa8: {  	_ =	swait.ge [sflag:s23], $0x1  }
0xa9: {  	[sflag:s23] =	ssyncset.done $0x0  }
0xaa: {  	s25 =	simm.s32 $0x1B8E;
	s24 =	sld [smem:$0x3FFE];
	[sflag:s23] =	ssyncadd.s32 $0xFFFFFFFF  }
0xab: {  	s26 =	simm.s32 $execute0_lowered;
	[smem:$0x3FD2] =	sst s25  }
0xac: {  	s6 =	sshll.u32 s26, $0x1;
	_ =	strace $0x80000049;
	[dreg:$0x1] =	wrdreg $0xFFFFFFFF  }
0xad: {  	s28 =	simm.s32 $_size_execute0_lowered;
	s4 =	sadd.s32 s4, s6;
	[dreg:$0x0] =	wrdreg $0x0  }
0xae: {  	s6 =	sshll.u32 s28, $0x1;
	[dreg:$0x2] =	wrdreg s4  }
0xaf: {  	[dreg:$0x3] =	wrdreg s6  }
0xb0: {  	[dreg:$0x4] =	wrdreg $0xC0  }
0xb1: {  	_ =	task [dreg:s8], $0x5FFFF  }
0xb2: {  	[dreg:$0x1] =	wrdreg $0xFFFFFFFF  }
0xb3: {  	[dreg:$0x0] =	wrdreg $0x60  }
0xb4: {  	[dreg:$0x2] =	wrdreg s17  }
0xb5: {  	[dreg:$0x3] =	wrdreg s24  }
0xb6: {  	[dreg:$0x4] =	wrdreg s16  }
0xb7: {  	[dreg:$0x5] =	wrdreg $0x9  }
0xb8: {  	_ =	task.clear_ibuf [dreg:s8], $0x6FFFF;
	_ =	strace $0x90000049  }
0xb9: {  	s29 =	simm.s32 $0x9;
	_ =	strace $0x8000004B  }
0xba: {  	_ =	swait.ge [sflag:s29], $0x1  }
0xbb: {  	[sflag:s29] =	ssyncadd.s32 $0xFFFFFFFF  }
0xbc: {  	_ =	strace $0x9000004B  }
0xbd: {  	_ =	sfence  }
0xbe: {  	s30 =	sld [smem:$0x0];
	_ =	sdelay $0x2  }
0xbf: {  	s31 =	sshll.u32 s1, $0xD;
	s1 =	sshrl.u32 s1, $0x2  }
0xc0: {  	s3 =	sand.u32 $0x4000, s31;
	s1 =	sadd.s32 s1, s30  }
0xc1: {  	s0 =	sor.u32 s3, s0;
	s1 =	sshll.u32 s1, $0x11  }
0xc2: {  	s0 =	sor.u32 s1, s0  }
0xc3: {  	s0 =	sadd.s32 $0x8F2B, s0  }
0xc4: {  	[sflag:s0] =	ssyncadd.remote.s32 $0x1  }
0xc5: {  	_ =	sfence.sel $0xFFFF  }
0xc6: {  	[dreg:$0x0] =	wrdreg $0xFFFFFFFF;
	(pc) =	sbr.abs _section_cstart, $3  }
0xc7: {  	[dreg:$0x1] =	wrdreg $0xFFFFFFFF  }
0xc8: {  	_ =	task.clear_ibuf [dreg:s8], $0x2FFFF;
	_ =	strace $0x9FFFFFFF  }
0xc9: {  	(tm) =	ssettm $0x7FFFFFFF  }
tec
execute0_lowered:
.L_overlay_start_1:
0x0: {  	(tag) =	ssettag $0x1  }
0x1: {  	s2 =	rddreg [dreg:$0x0]  }
0x2: {  	s0 =	rddreg [dreg:$0x1]  }
0x3: {  	s3 =	rddreg [dreg:$0x2];
	s1 =	srdreg.scid  }
0x4: {  	s8 =	stileid.u32;
	s4 =	simm.s32 $0x0;
	s12 =	simm.s32 $0x4  }
0x5: {  	s15 =	simm.s32 $0x80;
	s19 =	simm.s32 $0x9000;
	s20 =	simm.s32 $0xB000  }
0x6: {  	s21 =	simm.s32 $0xD000;
	s22 =	simm.s32 $0xF000;
	s23 =	simm.s32 $0x11000  }
0x7: {  	s24 =	simm.s32 $0x1;
	s28 =	simm.s32 $0x2;
	s29 =	simm.s32 $0x0  }
0x8: {  	s1 =	sand.u32 $0x1, s1;
	s5 =	sshll.u32 s8, $0x1;
	[smem:$0x7FF] =	sst s4  }
0x9: {  	s25 =	sshrl.u32 s8, $0x3;
	s6 =	sor.u32 s1, s5;
	s1 =	ssub.s32 $0x2, s1  }
0xa: {  	_ =	strace $0x8000004A;
	s31 =	sshll.u32 s25, $0x17;
	s5 =	sshll.u32 s6, $0x9  }
0xb: {  	s7 =	sshrl.u32 s1, $0x1;
	s9 =	sshll.u32 s6, $0x13;
	s0 =	sadd.s32 s5, s0  }
0xc: {  	s1 =	ssub.s32 s1, s7;
	s5 =	sshll.u32 s6, $0xC;
	s6 =	sshll.u32 s6, $0xF  }
0xd: {  	s7 =	sshll.u32 s25, $0x6;
	s10 =	ssub.s32 s9, s31;
	s26 =	sadd.s32 $0x20AA00, s0  }
0xe: {  	s25 =	simm.s32 $0x40;
	s30 =	sadd.s32 $0x206A00, s0;
	s8 =	sadd.s32 $0x202A00, s0  }
0xf: {  	s9 =	sadd.s32 s2, s6;
	s10 =	sor.u32 s7, s10;
	[dreg:$0x4] =	wrdreg s26  }
0x10: {  	s11 =	smax.u32 s1, $0x1;
	[dreg:$0x5] =	wrdreg s30;
	s26 =	simm.s32 $0x3  }
.LBB2_1:
0x11: {  	s0 =	rddreg [dreg:$0x4]  }
0x12: {  	[tilespmem:s4], [sflag:$0x4] =	stream.linear.gather [hbm4b:s0+s4], $0x1000, $0x38;
	[tilespmem:$0x13000] =	vst v63  }
0x13: {  	_ =	swait.ge [sflag:s12], $0x1000  }
0x14: {  	[sflag:s12] =	ssyncset.done $0x0  }
0x15: {  	s1 =	simm.s32 $0x1000;
	s16 =	rddreg [dreg:$0x5];
	[sflag:s12] =	ssyncadd.s32 $0xFFFFF000  }
0x16: {  	[tilespmem:s1], [sflag:$0x4] =	stream.linear.gather [hbm4b:s16+s4], $0x1000, $0x38;
	[tilespmem:$0x13000] =	vst v63  }
0x17: {  	_ =	swait.ge [sflag:s12], $0x1000  }
0x18: {  	[sflag:s12] =	ssyncset.done $0x0  }
0x19: {  	s17 =	simm.s32 $0x2000;
	[sflag:s12] =	ssyncadd.s32 $0xFFFFF000  }
0x1a: {  	[tilespmem:s17], [sflag:$0x4] =	stream.linear.gather [hbm4b:s8+s4], $0x1000, $0x38;
	[tilespmem:$0x13000] =	vst v63  }
0x1b: {  	_ =	swait.ge [sflag:s12], $0x1000  }
0x1c: {  	[sflag:s12] =	ssyncset.done $0x0  }
0x1d: {  	s6 =	simm.s32 $0x3000;
	[sflag:s12] =	ssyncadd.s32 $0xFFFFF000  }
0x1e: {  	[tilespmem:s6], [sflag:$0x1] =	stream.indirect.gather [hbm4b:s2+s15], $0x40, s4, s15, $0xb8;
	[tilespmem:$0x13000] =	vst v63  }
0x1f: {  	s18 =	simm.s32 $0x5000  }
0x20: {  	[tilespmem:s18], [sflag:$0x1] =	stream.indirect.gather [hbm4b:s2+s15], $0x40, s1, s15, $0xb8;
	[tilespmem:$0x13000] =	vst v63  }
0x21: {  	s31 =	simm.s32 $0x7000  }
0x22: {  	[tilespmem:s31], [sflag:$0x1] =	stream.indirect.gather [hbm4b:s2+s15], $0x40, s17, s15, $0xb8;
	[tilespmem:$0x13000] =	vst v63  }
0x23: {  	s30 =	simm.s32 $0x0  }
0x24: {  	[tilespmem:s19], [sflag:$0x1] =	stream.linear.gather [hbm4b:s9+s4], $0x2000, $0x38;
	[tilespmem:$0x13000] =	vst v63  }
.LBB2_2:
0x25: {  	p0 =	seq.s32 s30, $0x0  }
0x26: {  	s1 =	sshll.u32 s30, $0x1;
	s0 =	simm.s32 @!p0 $0x3  }
0x27: {  	s31 =	sor.u32 $0x1, s1;
	_ =	swait.ge @!p0 [sflag:s0], $0x2000  }
0x28: {  	s16 =	sshll.u32 s31, $0x7;
	[sflag:s0] =	ssyncset.done @!p0 $0x0  }
0x29: {  	[sflag:s0] =	ssyncadd.s32 @!p0 $0xFFFFE000;
	s0 =	sadd.s32 s5, s16  }
0x2a: {  	[tilespmem:s20], [sflag:$0x2] =	stream.indirect.gather [hbm4b:s2+s15], $0x40, s16, s15, $0xb8;
	[tilespmem:$0x13000] =	vst v63  }
0x2b: {  	s17 =	sadd.s32 $0x1000, s16;
	s0 =	sshll.u32 s0, $0x3  }
0x2c: {  	[tilespmem:s21], [sflag:$0x2] =	stream.indirect.gather [hbm4b:s2+s15], $0x40, s17, s15, $0xb8;
	[tilespmem:$0x13000] =	vst v63  }
0x2d: {  	s18 =	sadd.s32 $0x2000, s16;
	s0 =	sand.u32 $0x1FFFFC00, s0  }
0x2e: {  	[tilespmem:s22], [sflag:$0x2] =	stream.indirect.gather [hbm4b:s2+s15], $0x40, s18, s15, $0xb8;
	[tilespmem:$0x13000] =	vst v63  }
0x2f: {  	s0 =	sadd.s32 s2, s0  }
0x30: {  	[tilespmem:s23], [sflag:$0x2] =	stream.linear.gather [hbm4b:s0+s4], $0x2000, $0x38;
	[tilespmem:$0x13000] =	vst v63  }
0x31: {  	_ =	swait.ge [sflag:s24], $0x2000  }
0x32: {  	[sflag:s24] =	ssyncset.done $0x0  }
0x33: {  	[sflag:s24] =	ssyncadd.s32 $0xFFFFE000  }
0x34: {  	_ =	swait.ge [sflag:s24], $0x2000  }
0x35: {  	[sflag:s24] =	ssyncset.done $0x0  }
0x36: {  	[sflag:s24] =	ssyncadd.s32 $0xFFFFE000  }
0x37: {  	_ =	swait.ge [sflag:s24], $0x2000  }
0x38: {  	[sflag:s24] =	ssyncset.done $0x0  }
0x39: {  	[sflag:s24] =	ssyncadd.s32 $0xFFFFE000  }
0x3a: {  	_ =	swait.ge [sflag:s24], $0x2000  }
0x3b: {  	[sflag:s24] =	ssyncset.done $0x0  }
0x3c: {  	s16 =	simm.s32 $0x9040;
	[sflag:s24] =	ssyncadd.s32 $0xFFFFE000  }
0x3d: {  	s0 =	simm.s32 $0x3040;
	v0 =	vld [tilespmem:s16+$0xFFFFFFC0]  }
0x3e: {  	s17 =	simm.s32 $0x7040;
	v1 =	vld [tilespmem:s0+$0xFFFFFFC0]  }
0x3f: {  	s1 =	simm.s32 $0x5040;
	v2 =	vld [tilespmem:s17+$0xFFFFFFC0]  }
0x40: {  	v3 =	vld [tilespmem:s1+$0xFFFFFFC0];
	_ =	sdelay $0x4  }
0x41: {  	v1 =	vmax.f32 v1, v3;
	v0 =	vmax.f32 v2, v0  }
0x42: {  	v0 =	vmax.f32 v1, v0  }
0x43: {  	[tilespmem:s16+$0xFFFFFFC0] =	vst v0;
	v0 =	vld [tilespmem:s16+$0xFFFFFFD0]  }
0x44: {  	v1 =	vld [tilespmem:s17+$0xFFFFFFD0]  }
0x45: {  	v2 =	vld [tilespmem:s0+$0xFFFFFFD0]  }
0x46: {  	v3 =	vld [tilespmem:s1+$0xFFFFFFD0];
	_ =	sdelay $0x4  }
0x47: {  	v0 =	vmax.f32 v1, v0;
	v1 =	vmax.f32 v2, v3  }
0x48: {  	v0 =	vmax.f32 v1, v0  }
0x49: {  	[tilespmem:s16+$0xFFFFFFD0] =	vst v0;
	v0 =	vld [tilespmem:s16+$0xFFFFFFE0]  }
0x4a: {  	v1 =	vld [tilespmem:s0+$0xFFFFFFE0]  }
0x4b: {  	v2 =	vld [tilespmem:s1+$0xFFFFFFE0]  }
0x4c: {  	v3 =	vld [tilespmem:s17+$0xFFFFFFE0];
	_ =	sdelay $0x4  }
0x4d: {  	v1 =	vmax.f32 v1, v2;
	v0 =	vmax.f32 v3, v0  }
0x4e: {  	v0 =	vmax.f32 v1, v0  }
0x4f: {  	[tilespmem:s16+$0xFFFFFFE0] =	vst v0;
	v0 =	vld [tilespmem:s16+$0xFFFFFFF0]  }
0x50: {  	v1 =	vld [tilespmem:s1+$0xFFFFFFF0]  }
0x51: {  	v2 =	vld [tilespmem:s0+$0xFFFFFFF0]  }
0x52: {  	v3 =	vld [tilespmem:s17+$0xFFFFFFF0];
	_ =	sdelay $0x4  }
0x53: {  	v1 =	vmax.f32 v2, v1;
	v0 =	vmax.f32 v3, v0  }
0x54: {  	v0 =	vmax.f32 v1, v0  }
0x55: {  	[tilespmem:s16+$0xFFFFFFF0] =	vst v0;
	v0 =	vld [tilespmem:s16+$0x0]  }
0x56: {  	v1 =	vld [tilespmem:s1+$0x0]  }
0x57: {  	v2 =	vld [tilespmem:s0+$0x0]  }
0x58: {  	v3 =	vld [tilespmem:s17+$0x0];
	_ =	sdelay $0x4  }
0x59: {  	v1 =	vmax.f32 v2, v1;
	v0 =	vmax.f32 v3, v0  }
0x5a: {  	v0 =	vmax.f32 v1, v0  }
0x5b: {  	[tilespmem:s16+$0x0] =	vst v0;
	v0 =	vld [tilespmem:s16+$0x10]  }
0x5c: {  	v1 =	vld [tilespmem:s0+$0x10]  }
0x5d: {  	v2 =	vld [tilespmem:s1+$0x10]  }
0x5e: {  	v3 =	vld [tilespmem:s17+$0x10];
	_ =	sdelay $0x4  }
0x5f: {  	v1 =	vmax.f32 v1, v2;
	v0 =	vmax.f32 v3, v0  }
0x60: {  	v0 =	vmax.f32 v1, v0  }
0x61: {  	[tilespmem:s16+$0x10] =	vst v0;
	v0 =	vld [tilespmem:s16+$0x20]  }
0x62: {  	v2 =	vld [tilespmem:s17+$0x20]  }
0x63: {  	v1 =	vld [tilespmem:s0+$0x20]  }
0x64: {  	v3 =	vld [tilespmem:s1+$0x20]  }
0x65: {  	s7 =	simm.s32 $0x0;
	s13 =	simm.s32 $0x50C0  }
0x66: {  	s14 =	simm.s32 $0x30C0;
	s6 =	simm.s32 $0x7040;
	s18 =	simm.s32 $0x9040  }
.LBB2_3:
0x67: {  	s7 =	sadd.s32 $0x2, s7;
	v0 =	vmax.f32 v2, v0;
	s16 =	sadd.s32 $0x80, s16;
	s17 =	sadd.s32 $0x80, s17  }
0x68: {  	p0 =	slt.u32 s7, $0x7E  }
0x69: {  	v1 =	vmax.f32 v1, v3  }
0x6a: {  	v0 =	vmax.f32 v1, v0  }
0x6b: {  	[tilespmem:s18+$0x20] =	vst v0;
	v0 =	vld [tilespmem:s18+$0x30]  }
0x6c: {  	v1 =	vld [tilespmem:s0+$0x30];
	s0 =	smov.u32 s14  }
0x6d: {  	v2 =	vld [tilespmem:s6+$0x30];
	s6 =	smov.u32 s17  }
0x6e: {  	v3 =	vld [tilespmem:s1+$0x30];
	s1 =	smov.u32 s13;
	_ =	sdelay $0x3  }
0x6f: {  	v0 =	vmax.f32 v2, v0  }
0x70: {  	v1 =	vmax.f32 v1, v3  }
0x71: {  	v0 =	vmax.f32 v1, v0  }
0x72: {  	v1 =	vld [tilespmem:s16+$0xFFFFFFC0];
	[tilespmem:s18+$0x30] =	vst v0;
	s18 =	smov.u32 s16  }
0x73: {  	v0 =	vld [tilespmem:s14+$0xFFFFFFC0]  }
0x74: {  	v2 =	vld [tilespmem:s17+$0xFFFFFFC0]  }
0x75: {  	v3 =	vld [tilespmem:s13+$0xFFFFFFC0];
	_ =	sdelay $0x4  }
0x76: {  	v1 =	vmax.f32 v2, v1;
	v0 =	vmax.f32 v0, v3  }
0x77: {  	v0 =	vmax.f32 v0, v1  }
0x78: {  	[tilespmem:s16+$0xFFFFFFC0] =	vst v0;
	v0 =	vld [tilespmem:s16+$0xFFFFFFD0]  }
0x79: {  	v1 =	vld [tilespmem:s17+$0xFFFFFFD0]  }
0x7a: {  	v2 =	vld [tilespmem:s14+$0xFFFFFFD0]  }
0x7b: {  	v3 =	vld [tilespmem:s13+$0xFFFFFFD0];
	_ =	sdelay $0x2  }
0x7c: {  	v0 =	vmax.f32 v1, v0;
	_ =	sdelay $0x1  }
0x7d: {  	v1 =	vmax.f32 v2, v3  }
0x7e: {  	v0 =	vmax.f32 v1, v0  }
0x7f: {  	[tilespmem:s16+$0xFFFFFFD0] =	vst v0;
	v0 =	vld [tilespmem:s16+$0xFFFFFFE0]  }
0x80: {  	v1 =	vld [tilespmem:s14+$0xFFFFFFE0]  }
0x81: {  	v2 =	vld [tilespmem:s13+$0xFFFFFFE0]  }
0x82: {  	v3 =	vld [tilespmem:s17+$0xFFFFFFE0];
	_ =	sdelay $0x3  }
0x83: {  	v1 =	vmax.f32 v1, v2  }
0x84: {  	v0 =	vmax.f32 v3, v0  }
0x85: {  	v0 =	vmax.f32 v1, v0  }
0x86: {  	[tilespmem:s16+$0xFFFFFFE0] =	vst v0;
	v0 =	vld [tilespmem:s16+$0xFFFFFFF0]  }
0x87: {  	v1 =	vld [tilespmem:s13+$0xFFFFFFF0]  }
0x88: {  	v2 =	vld [tilespmem:s14+$0xFFFFFFF0]  }
0x89: {  	v3 =	vld [tilespmem:s17+$0xFFFFFFF0];
	_ =	sdelay $0x3  }
0x8a: {  	v1 =	vmax.f32 v2, v1  }
0x8b: {  	v0 =	vmax.f32 v3, v0  }
0x8c: {  	v0 =	vmax.f32 v1, v0  }
0x8d: {  	[tilespmem:s16+$0xFFFFFFF0] =	vst v0;
	v0 =	vld [tilespmem:s16+$0x0]  }
0x8e: {  	v1 =	vld [tilespmem:s13+$0x0]  }
0x8f: {  	v2 =	vld [tilespmem:s14+$0x0]  }
0x90: {  	v3 =	vld [tilespmem:s17+$0x0];
	_ =	sdelay $0x3  }
0x91: {  	v1 =	vmax.f32 v2, v1  }
0x92: {  	v0 =	vmax.f32 v3, v0  }
0x93: {  	v0 =	vmax.f32 v1, v0  }
0x94: {  	[tilespmem:s16+$0x0] =	vst v0;
	v0 =	vld [tilespmem:s16+$0x10]  }
0x95: {  	v1 =	vld [tilespmem:s14+$0x10]  }
0x96: {  	v2 =	vld [tilespmem:s13+$0x10]  }
0x97: {  	v3 =	vld [tilespmem:s17+$0x10];
	_ =	sdelay $0x3  }
0x98: {  	v1 =	vmax.f32 v1, v2  }
0x99: {  	v0 =	vmax.f32 v3, v0  }
0x9a: {  	v0 =	vmax.f32 v1, v0  }
0x9b: {  	[tilespmem:s16+$0x10] =	vst v0;
	v0 =	vld [tilespmem:s16+$0x20]  }
.Ltmp0:
0x9c: {  	v2 =	vld [tilespmem:s17+$0x20];
	(pc) =	sbr.rel @p0 .LBB2_3-.Ltmp0, $3  }
0x9d: {  	v1 =	vld [tilespmem:s14+$0x20]  }
0x9e: {  	v3 =	vld [tilespmem:s13+$0x20];
	_ =	sdelay $0x1  }
0x9f: {  	s14 =	sadd.s32 $0x80, s14;
	s13 =	sadd.s32 $0x80, s13  }
0xa0: {  	_ =	sdelay $0x1  }
0xa1: {  	v0 =	vmax.f32 v2, v0;
	v1 =	vmax.f32 v1, v3  }
0xa2: {  	v0 =	vmax.f32 v1, v0  }
0xa3: {  	[tilespmem:s18+$0x20] =	vst v0;
	v0 =	vld [tilespmem:s18+$0x30]  }
0xa4: {  	v1 =	vld [tilespmem:s0+$0x30]  }
0xa5: {  	v2 =	vld [tilespmem:s6+$0x30]  }
0xa6: {  	v3 =	vld [tilespmem:s1+$0x30];
	_ =	sdelay $0x3  }
0xa7: {  	s17 =	sshll.u32 s30, $0xF  }
0xa8: {  	s0 =	sadd.s32 s10, s17;
	v0 =	vmax.f32 v2, v0;
	v1 =	vmax.f32 v1, v3  }
0xa9: {  	s0 =	sshrl.u32 s0, $0x3;
	v0 =	vmax.f32 v1, v0  }
0xaa: {  	s0 =	sadd.s32 s3, s0;
	[tilespmem:s18+$0x30] =	vst v0  }
0xab: {  	[hbm4b:s0+s25] =	stream.strided.scatter [tilespmem:s19], [sflag:$0x3], $0x2000, s15, s25, $0x38;
	[tilespmem:$0x13000] =	vst v63  }
0xac: {  	p0 =	seq.s32 s30, $0xF;
	_ =	swait.ge [sflag:s26], $0x2000  }
0xad: {  	s7 =	simm.s32 @!p0 $0x3000;
	s0 =	sshll.u32 @!p0 s30, $0x8;
	[sflag:s26] =	ssyncset.done $0x0  }
0xae: {  	s6 =	simm.s32 @!p0 $0x80;
	s1 =	sadd.s32 @!p0 $0x100, s0;
	[sflag:s26] =	ssyncadd.s32 $0xFFFFE000  }
0xaf: {  	[tilespmem:s7], [sflag:$0x1] =	stream.indirect.gather @!p0 [hbm4b:s2+s6], $0x40, s1, s6, $0xb8;
	[tilespmem:$0x13000] =	vst v63  }
0xb0: {  	s13 =	simm.s32 @!p0 $0x5000;
	s7 =	sadd.s32 @!p0 $0x1100, s0  }
0xb1: {  	[tilespmem:s13], [sflag:$0x1] =	stream.indirect.gather @!p0 [hbm4b:s2+s6], $0x40, s7, s6, $0xb8;
	[tilespmem:$0x13000] =	vst v63  }
0xb2: {  	s0 =	sadd.s32 @!p0 $0x2100, s0;
	s7 =	simm.s32 @!p0 $0x7000  }
0xb3: {  	[tilespmem:s7], [sflag:$0x1] =	stream.indirect.gather @!p0 [hbm4b:s2+s6], $0x40, s0, s6, $0xb8;
	[tilespmem:$0x13000] =	vst v63  }
0xb4: {  	s0 =	sadd.s32 @!p0 s5, s1  }
0xb5: {  	s0 =	sshll.u32 @!p0 s0, $0x3  }
0xb6: {  	s0 =	sand.u32 @!p0 $0x1FFFF800, s0  }
0xb7: {  	s1 =	simm.s32 @!p0 $0x0;
	s6 =	simm.s32 @!p0 $0x9000;
	s0 =	sadd.s32 @!p0 s2, s0  }
0xb8: {  	[tilespmem:s6], [sflag:$0x1] =	stream.linear.gather @!p0 [hbm4b:s0+s1], $0x2000, $0x38;
	[tilespmem:$0x13000] =	vst v63  }
0xb9: {  	_ =	swait.ge [sflag:s28], $0x2000  }
0xba: {  	[sflag:s28] =	ssyncset.done $0x0  }
0xbb: {  	[sflag:s28] =	ssyncadd.s32 $0xFFFFE000  }
0xbc: {  	_ =	swait.ge [sflag:s28], $0x2000  }
0xbd: {  	[sflag:s28] =	ssyncset.done $0x0  }
0xbe: {  	[sflag:s28] =	ssyncadd.s32 $0xFFFFE000  }
0xbf: {  	_ =	swait.ge [sflag:s28], $0x2000  }
0xc0: {  	[sflag:s28] =	ssyncset.done $0x0  }
0xc1: {  	[sflag:s28] =	ssyncadd.s32 $0xFFFFE000  }
0xc2: {  	_ =	swait.ge [sflag:s28], $0x2000  }
0xc3: {  	[sflag:s28] =	ssyncset.done $0x0  }
0xc4: {  	s16 =	simm.s32 $0x11040;
	[sflag:s28] =	ssyncadd.s32 $0xFFFFE000  }
0xc5: {  	s0 =	simm.s32 $0xB040;
	v0 =	vld [tilespmem:s16+$0xFFFFFFC0]  }
0xc6: {  	s17 =	simm.s32 $0xF040;
	v1 =	vld [tilespmem:s0+$0xFFFFFFC0]  }
0xc7: {  	s1 =	simm.s32 $0xD040;
	v2 =	vld [tilespmem:s17+$0xFFFFFFC0]  }
0xc8: {  	v3 =	vld [tilespmem:s1+$0xFFFFFFC0];
	_ =	sdelay $0x4  }
0xc9: {  	v1 =	vmax.f32 v1, v3;
	v0 =	vmax.f32 v2, v0  }
0xca: {  	v0 =	vmax.f32 v1, v0  }
0xcb: {  	[tilespmem:s16+$0xFFFFFFC0] =	vst v0;
	v0 =	vld [tilespmem:s16+$0xFFFFFFD0]  }
0xcc: {  	v1 =	vld [tilespmem:s17+$0xFFFFFFD0]  }
0xcd: {  	v2 =	vld [tilespmem:s0+$0xFFFFFFD0]  }
0xce: {  	v3 =	vld [tilespmem:s1+$0xFFFFFFD0];
	_ =	sdelay $0x4  }
0xcf: {  	v0 =	vmax.f32 v1, v0;
	v1 =	vmax.f32 v2, v3  }
0xd0: {  	v0 =	vmax.f32 v1, v0  }
0xd1: {  	[tilespmem:s16+$0xFFFFFFD0] =	vst v0;
	v0 =	vld [tilespmem:s16+$0xFFFFFFE0]  }
0xd2: {  	v1 =	vld [tilespmem:s0+$0xFFFFFFE0]  }
0xd3: {  	v2 =	vld [tilespmem:s1+$0xFFFFFFE0]  }
0xd4: {  	v3 =	vld [tilespmem:s17+$0xFFFFFFE0];
	_ =	sdelay $0x4  }
0xd5: {  	v1 =	vmax.f32 v1, v2;
	v0 =	vmax.f32 v3, v0  }
0xd6: {  	v0 =	vmax.f32 v1, v0  }
0xd7: {  	[tilespmem:s16+$0xFFFFFFE0] =	vst v0;
	v0 =	vld [tilespmem:s16+$0xFFFFFFF0]  }
0xd8: {  	v1 =	vld [tilespmem:s1+$0xFFFFFFF0]  }
0xd9: {  	v2 =	vld [tilespmem:s0+$0xFFFFFFF0]  }
0xda: {  	v3 =	vld [tilespmem:s17+$0xFFFFFFF0];
	_ =	sdelay $0x4  }
0xdb: {  	v1 =	vmax.f32 v2, v1;
	v0 =	vmax.f32 v3, v0  }
0xdc: {  	v0 =	vmax.f32 v1, v0  }
0xdd: {  	[tilespmem:s16+$0xFFFFFFF0] =	vst v0;
	v0 =	vld [tilespmem:s16+$0x0]  }
0xde: {  	v1 =	vld [tilespmem:s1+$0x0]  }
0xdf: {  	v2 =	vld [tilespmem:s0+$0x0]  }
0xe0: {  	v3 =	vld [tilespmem:s17+$0x0];
	_ =	sdelay $0x4  }
0xe1: {  	v1 =	vmax.f32 v2, v1;
	v0 =	vmax.f32 v3, v0  }
0xe2: {  	v0 =	vmax.f32 v1, v0  }
0xe3: {  	[tilespmem:s16+$0x0] =	vst v0;
	v0 =	vld [tilespmem:s16+$0x10]  }
0xe4: {  	v1 =	vld [tilespmem:s0+$0x10]  }
0xe5: {  	v2 =	vld [tilespmem:s1+$0x10]  }
0xe6: {  	v3 =	vld [tilespmem:s17+$0x10];
	_ =	sdelay $0x4  }
0xe7: {  	v1 =	vmax.f32 v1, v2;
	v0 =	vmax.f32 v3, v0  }
0xe8: {  	v0 =	vmax.f32 v1, v0  }
0xe9: {  	[tilespmem:s16+$0x10] =	vst v0;
	v0 =	vld [tilespmem:s16+$0x20]  }
0xea: {  	v2 =	vld [tilespmem:s17+$0x20]  }
0xeb: {  	v1 =	vld [tilespmem:s0+$0x20]  }
0xec: {  	v3 =	vld [tilespmem:s1+$0x20]  }
0xed: {  	s14 =	simm.s32 $0xB0C0;
	s18 =	simm.s32 $0x11040  }
0xee: {  	s13 =	simm.s32 $0xD0C0;
	s7 =	simm.s32 $0x0;
	s6 =	simm.s32 $0xF040  }
.LBB2_5:
0xef: {  	s7 =	sadd.s32 $0x2, s7;
	v0 =	vmax.f32 v2, v0;
	s16 =	sadd.s32 $0x80, s16;
	s17 =	sadd.s32 $0x80, s17  }
0xf0: {  	p0 =	slt.u32 s7, $0x7E  }
0xf1: {  	v1 =	vmax.f32 v1, v3  }
0xf2: {  	v0 =	vmax.f32 v1, v0  }
0xf3: {  	[tilespmem:s18+$0x20] =	vst v0;
	v0 =	vld [tilespmem:s18+$0x30]  }
0xf4: {  	v1 =	vld [tilespmem:s0+$0x30];
	s0 =	smov.u32 s14  }
0xf5: {  	v2 =	vld [tilespmem:s6+$0x30];
	s6 =	smov.u32 s17  }
0xf6: {  	v3 =	vld [tilespmem:s1+$0x30];
	s1 =	smov.u32 s13;
	_ =	sdelay $0x3  }
0xf7: {  	v0 =	vmax.f32 v2, v0  }
0xf8: {  	v1 =	vmax.f32 v1, v3  }
0xf9: {  	v0 =	vmax.f32 v1, v0  }
0xfa: {  	v1 =	vld [tilespmem:s16+$0xFFFFFFC0];
	[tilespmem:s18+$0x30] =	vst v0;
	s18 =	smov.u32 s16  }
0xfb: {  	v0 =	vld [tilespmem:s14+$0xFFFFFFC0]  }
0xfc: {  	v2 =	vld [tilespmem:s17+$0xFFFFFFC0]  }
0xfd: {  	v3 =	vld [tilespmem:s13+$0xFFFFFFC0];
	_ =	sdelay $0x4  }
0xfe: {  	v1 =	vmax.f32 v2, v1;
	v0 =	vmax.f32 v0, v3  }
0xff: {  	v0 =	vmax.f32 v0, v1  }
0x100: {  	[tilespmem:s16+$0xFFFFFFC0] =	vst v0;
	v0 =	vld [tilespmem:s16+$0xFFFFFFD0]  }
0x101: {  	v1 =	vld [tilespmem:s17+$0xFFFFFFD0]  }
0x102: {  	v2 =	vld [tilespmem:s14+$0xFFFFFFD0]  }
0x103: {  	v3 =	vld [tilespmem:s13+$0xFFFFFFD0];
	_ =	sdelay $0x2  }
0x104: {  	v0 =	vmax.f32 v1, v0;
	_ =	sdelay $0x1  }
0x105: {  	v1 =	vmax.f32 v2, v3  }
0x106: {  	v0 =	vmax.f32 v1, v0  }
0x107: {  	[tilespmem:s16+$0xFFFFFFD0] =	vst v0;
	v0 =	vld [tilespmem:s16+$0xFFFFFFE0]  }
0x108: {  	v1 =	vld [tilespmem:s14+$0xFFFFFFE0]  }
0x109: {  	v2 =	vld [tilespmem:s13+$0xFFFFFFE0]  }
0x10a: {  	v3 =	vld [tilespmem:s17+$0xFFFFFFE0];
	_ =	sdelay $0x3  }
0x10b: {  	v1 =	vmax.f32 v1, v2  }
0x10c: {  	v0 =	vmax.f32 v3, v0  }
0x10d: {  	v0 =	vmax.f32 v1, v0  }
0x10e: {  	[tilespmem:s16+$0xFFFFFFE0] =	vst v0;
	v0 =	vld [tilespmem:s16+$0xFFFFFFF0]  }
0x10f: {  	v1 =	vld [tilespmem:s13+$0xFFFFFFF0]  }
0x110: {  	v2 =	vld [tilespmem:s14+$0xFFFFFFF0]  }
0x111: {  	v3 =	vld [tilespmem:s17+$0xFFFFFFF0];
	_ =	sdelay $0x3  }
0x112: {  	v1 =	vmax.f32 v2, v1  }
0x113: {  	v0 =	vmax.f32 v3, v0  }
0x114: {  	v0 =	vmax.f32 v1, v0  }
0x115: {  	[tilespmem:s16+$0xFFFFFFF0] =	vst v0;
	v0 =	vld [tilespmem:s16+$0x0]  }
0x116: {  	v1 =	vld [tilespmem:s13+$0x0]  }
0x117: {  	v2 =	vld [tilespmem:s14+$0x0]  }
0x118: {  	v3 =	vld [tilespmem:s17+$0x0];
	_ =	sdelay $0x3  }
0x119: {  	v1 =	vmax.f32 v2, v1  }
0x11a: {  	v0 =	vmax.f32 v3, v0  }
0x11b: {  	v0 =	vmax.f32 v1, v0  }
0x11c: {  	[tilespmem:s16+$0x0] =	vst v0;
	v0 =	vld [tilespmem:s16+$0x10]  }
0x11d: {  	v1 =	vld [tilespmem:s14+$0x10]  }
0x11e: {  	v2 =	vld [tilespmem:s13+$0x10]  }
0x11f: {  	v3 =	vld [tilespmem:s17+$0x10];
	_ =	sdelay $0x3  }
0x120: {  	v1 =	vmax.f32 v1, v2  }
0x121: {  	v0 =	vmax.f32 v3, v0  }
0x122: {  	v0 =	vmax.f32 v1, v0  }
0x123: {  	[tilespmem:s16+$0x10] =	vst v0;
	v0 =	vld [tilespmem:s16+$0x20]  }
.Ltmp1:
0x124: {  	v2 =	vld [tilespmem:s17+$0x20];
	(pc) =	sbr.rel @p0 .LBB2_5-.Ltmp1, $3  }
0x125: {  	v1 =	vld [tilespmem:s14+$0x20]  }
0x126: {  	v3 =	vld [tilespmem:s13+$0x20];
	_ =	sdelay $0x1  }
0x127: {  	s14 =	sadd.s32 $0x80, s14;
	s13 =	sadd.s32 $0x80, s13  }
0x128: {  	_ =	sdelay $0x1  }
0x129: {  	v0 =	vmax.f32 v2, v0;
	v1 =	vmax.f32 v1, v3  }
0x12a: {  	v0 =	vmax.f32 v1, v0  }
0x12b: {  	v60 =	vld [tilespmem:s18+$0x30];
	[tilespmem:s18+$0x20] =	vst v0  }
0x12c: {  	v61 =	vld [tilespmem:s0+$0x30]  }
0x12d: {  	v62 =	vld [tilespmem:s6+$0x30]  }
0x12e: {  	v63 =	vld [tilespmem:s1+$0x30];
	_ =	sdelay $0x1  }
0x12f: {  	s30 =	sadd.s32 $0x1, s30  }
0x130: {  	p0 =	sne.s32 s30, $0x10  }
.Ltmp2:
0x131: {  	s31 =	sshll.u32 s31, $0xE;
	(pc) =	sbr.rel @p0 .LBB2_2-.Ltmp2, $4  }
0x132: {  	s0 =	sadd.s32 s10, s31;
	v0 =	vmax.f32 v62, v60;
	v1 =	vmax.f32 v61, v63  }
0x133: {  	s0 =	sshrl.u32 s0, $0x3;
	v0 =	vmax.f32 v1, v0  }
0x134: {  	s0 =	sadd.s32 s3, s0;
	[tilespmem:s18+$0x30] =	vst v0  }
0x135: {  	[hbm4b:s0+s25] =	stream.strided.scatter [tilespmem:s23], [sflag:$0x3], $0x2000, s15, s25, $0x38;
	[tilespmem:$0x13000] =	vst v63  }
0x136: {  	s29 =	sadd.s32 $0x1, s29  }
0x137: {  	p0 =	sne.s32 s29, s11  }
.Ltmp3:
0x138: {  	_ = 	snop;
	(pc) =	sbr.rel @p0 .LBB2_1-.Ltmp3, $4  }
0x139: {  	_ = 	snop  }
0x13a: {  	_ =	swait.ge [sflag:s26], $0x2000  }
0x13b: {  	[sflag:s26] =	ssyncset.done $0x0  }
0x13c: {  	[sflag:s26] =	ssyncadd.s32 $0xFFFFE000  }
0x13d: {  	_ =	sfence.sel $0x180000  }
0x13e: {  	[bflag:$0x0] =	sbarrier.arrive $0xFFFF  }
0x13f: {  	_ =	strace $0x9000004A  }
0x140: {  	s0 =	stileid.u32;
	[bflag:$0x2] =	sbarrier.arrive $0xFFFF  }
0x141: {  	p0 =	sne.s32 s0, $0x0;
	s0 =	rddreg [dreg:$0x3]  }
0x142: {  	s0 =	sadd.s32 @!p0 $0x100000, s0  }
0x143: {  	[sflag:s0] =	ssyncadd.tile.s32 @!p0 $0x1;
	_ =	shalt  }
.Lfunc_end2:
_tile_overlayer_lowered:
.L_overlay_start_2:
0x144: {  	(tag) =	ssettag $0x2  }
0x145: {  	s0 =	rddreg [dreg:$0x0];
	s2 =	stileid.u32  }
0x146: {  	s1 =	rddreg [dreg:$0x1];
	p0 =	sne.s32 s2, $0x0  }
0x147: {  	s3 =	rddreg [dreg:$0x2];
	[bflag:$0x3] =	sbarrier.arrive $0xFFFF;
	s2 =	simm.s32 @!p0 $0x1C04  }
0x148: {  	[timem:s3], [sflag:s2] =	dma.local @!p0 [hbm:s0], s1  }
0x149: {  	s0 =	simm.s32 @!p0 $0x4  }
0x14a: {  	_ =	swait.ge @!p0 [sflag:s0], s1  }
0x14b: {  	s1 =	ssub.s32 @!p0 $0x0, s1;
	[sflag:s0] =	ssyncset.done @!p0 $0x0  }
0x14c: {  	[sflag:s0] =	ssyncadd.s32 @!p0 s1  }
0x14d: {  	[bflag:$0x3] =	sbarrier.arrive $0xFFFF  }
0x14e: {  	_ =	shalt  }

// kernel: sparse-core-data-format-call.cloned.1.call-start
scs
called_computation_lowered:
.L_overlay_start_0:
0x0: {  	s2 =	sld [smem:$0x3FD9]  }
0x1: {  	s3 =	sld [smem:$0x3FFE];
	_ =	sdelay $0x1  }
0x2: {  	s1 =	srdreg.scid  }
0x3: {  	s0 =	sand.u32 $0x1, s1  }
0x4: {  	s18 =	sshll.u32 s0, $0xA;
	s2 =	sadd.s32 s3, s2  }
0x5: {  	s2 =	sadd.s32 s2, s18  }
0x6: {  	[smem:$0x3FBF] =	sst s2  }
0x7: {  	_ = 	snop  }
0x8: {  	s2 =	sld [smem:$0x3FC8];
	(tm) =	ssettm $0x1  }
0x9: {  	s19 =	sld [smem:$0x3FFB];
	_ =	sdelay $0x3  }
0xa: {  	_ =	strace s19  }
0xb: {  	s3 =	sld [smem:$0x3FFC];
	_ =	sdelay $0x3  }
0xc: {  	_ =	strace s3  }
0xd: {  	s3 =	sld [smem:$0x3FFD];
	_ =	sdelay $0x3  }
0xe: {  	_ =	strace s3  }
0xf: {  	_ =	strace $0x8FFFFFFF  }
0x10: {  	s20 =	sld [smem:$0x3FDB];
	_ =	sdelay $0x1  }
0x11: {  	s4 =	simm.s32 $_scs_section_size  }
0x12: {  	s5 =	simm.s32 $_size__tile_overlayer_lowered;
	s6 =	simm.s32 $_tile_overlayer_lowered  }
0x13: {  	s23 =	simm.s32 $0x1BFF;
	s22 =	sshll.u32 s6, $0x1;
	s3 =	sadd.s32 s4, s20  }
0x14: {  	s7 =	simm.s32 $0x0;
	s21 =	sshll.u32 s5, $0x1;
	s5 =	sadd.s32 s22, s3  }
0x15: {  	[timem:s7], [sflag:s23] =	dma.local [hbm:s5], s21  }
0x16: {  	_ =	swait.ge [sflag:s23], s21  }
0x17: {  	s4 =	ssub.s32 $0x0, s21;
	[sflag:s23] =	ssyncset.done $0x0  }
0x18: {  	[sflag:s23] =	ssyncadd.s32 s4;
	_ =	sdelay $0x1  }
0x19: {  	s24 =	simm.s32 $0x1B8B  }
0x1a: {  	_ =	swait.ge [sflag:s24], $0x1  }
0x1b: {  	[sflag:s24] =	ssyncset.done $0x0  }
0x1c: {  	s26 =	simm.s32 $0x1B8E;
	s25 =	sld [smem:$0x3FFE];
	[sflag:s24] =	ssyncadd.s32 $0xFFFFFFFF  }
0x1d: {  	s27 =	simm.s32 $execute0_lowered;
	[smem:$0x3FD2] =	sst s26  }
0x1e: {  	s5 =	sshll.u32 s27, $0x1;
	_ =	strace $0x80000046;
	[dreg:$0x1] =	wrdreg $0xFFFFFFFF  }
0x1f: {  	s28 =	simm.s32 $_size_execute0_lowered;
	s3 =	sadd.s32 s3, s5;
	[dreg:$0x0] =	wrdreg $0x0  }
0x20: {  	s5 =	sshll.u32 s28, $0x1;
	[dreg:$0x2] =	wrdreg s3  }
0x21: {  	[dreg:$0x3] =	wrdreg s5  }
0x22: {  	[dreg:$0x4] =	wrdreg $0xC0  }
0x23: {  	_ =	task [dreg:s7], $0x5FFFF  }
0x24: {  	[dreg:$0x1] =	wrdreg $0xFFFFFFFF  }
0x25: {  	[dreg:$0x0] =	wrdreg $0x60  }
0x26: {  	[dreg:$0x2] =	wrdreg s2  }
0x27: {  	[dreg:$0x3] =	wrdreg s25  }
0x28: {  	[dreg:$0x4] =	wrdreg $0x9  }
0x29: {  	_ =	task.clear_ibuf [dreg:s7], $0x5FFFF;
	_ =	strace $0x90000046  }
0x2a: {  	s29 =	simm.s32 $0x9;
	_ =	strace $0x80000048  }
0x2b: {  	_ =	swait.ge [sflag:s29], $0x1  }
0x2c: {  	[sflag:s29] =	ssyncadd.s32 $0xFFFFFFFF  }
0x2d: {  	_ =	strace $0x90000048  }
0x2e: {  	_ =	sfence  }
0x2f: {  	s30 =	sld [smem:$0x0];
	_ =	sdelay $0x2  }
0x30: {  	s31 =	sshll.u32 s1, $0xD;
	s1 =	sshrl.u32 s1, $0x2  }
0x31: {  	s3 =	sand.u32 $0x4000, s31;
	s1 =	sadd.s32 s1, s30  }
0x32: {  	s0 =	sor.u32 s3, s0;
	s1 =	sshll.u32 s1, $0x11  }
0x33: {  	s0 =	sor.u32 s1, s0  }
0x34: {  	s0 =	sadd.s32 $0x8F2B, s0  }
0x35: {  	[sflag:s0] =	ssyncadd.remote.s32 $0x1  }
0x36: {  	_ =	sfence.sel $0xFFFF  }
0x37: {  	[dreg:$0x0] =	wrdreg $0xFFFFFFFF;
	(pc) =	sbr.abs _section_cstart, $3  }
0x38: {  	[dreg:$0x1] =	wrdreg $0xFFFFFFFF  }
0x39: {  	_ =	task.clear_ibuf [dreg:s7], $0x2FFFF;
	_ =	strace $0x9FFFFFFF  }
0x3a: {  	(tm) =	ssettm $0x7FFFFFFF  }
0x3b: {  	_ =	shalt  }
tec
execute0_lowered:
.L_overlay_start_1:
0x0: {  	(tag) =	ssettag $0x1  }
0x1: {  	s0 =	stileid.u32;
	s2 =	rddreg [dreg:$0x0]  }
0x2: {  	s1 =	srdreg.scid;
	s4 =	rddreg [dreg:$0x1]  }
0x3: {  	s8 =	simm.s32 $0x1;
	s9 =	simm.s32 $0x2;
	s16 =	simm.s32 $0x0  }
0x4: {  	s14 =	simm.s32 $0x0;
	s3 =	sshll.u32 s0, $0x6;
	s1 =	sshll.u32 s1, $0xA  }
0x5: {  	s15 =	simm.s32 $0x0;
	s11 =	simm.s32 $0x0;
	s1 =	sor.u32 s3, s1  }
0x6: {  	s13 =	simm.s32 $0x0;
	s5 =	sand.u32 $0x3, s0;
	s3 =	sand.u32 $0x700, s1  }
0x7: {  	s4 =	sadd.s32 $0x2A00, s4;
	s12 =	smov.u32 s5;
	s7 =	ssub.s32 $0x8000, s3  }
.Ltmp0:
0x8: {  	s1 =	rddreg [dreg:$0x2];
	s6 =	sand.u32 $0x700, s7;
	(pc) =	sbr.rel .LBB1_1-.Ltmp0, $4  }
0x9: {  	_ =	strace $0x80000047;
	s10 =	smov.u32 s3;
	p0 =	sne.s32 s6, $0x0  }
0xa: {  	s7 =	sshrl.u32 s7, $0xB;
	s6 =	simm.s32 $0x1;
	s8 =	simm.s32 @!p0 $0x0  }
0xb: {  	[sflag:s6] =	ssyncpa.u1 $0x0;
	p0 =	por $0x0, $0x0;
	s7 =	sadd.s32 s8, s7  }
0xc: {  	[sflag:s9] =	ssyncpa.u1 $0x0;
	s9 =	simm.s32 $0x80;
	s8 =	sadd.s32 $0x1, s7  }
.LBB1_4:
0xd: {  	_ = 	snop  }
0xe: {  	[tilespmem:s21+$0x1860 ss:$0x41] =	vst.msk $0xffff, v8  }
0xf: {  	[tilespmem:s21+$0x1C70 ss:$0x41] =	vst.msk $0xffff, v7  }
0x10: {  	[tilespmem:s21+$0x2490 ss:$0x41] =	vst.msk $0xffff, v1  }
0x11: {  	s24 =	sor.u32 s27, s26;
	v47 =	vld.idx.msk [tilespmem:v0+s19+$0x470 ss:$0x1], $0xffff;
	[tilespmem:s21+$0x28A0 ss:$0x41] =	vst.msk $0xffff, v2  }
0x12: {  	[tilespmem:s21+$0x2CB0 ss:$0x41] =	vst.msk $0xffff, v3;
	v57 =	vld.idx.msk [tilespmem:v0+s24+$0x410 ss:$0x1], $0xffff  }
0x13: {  	[tilespmem:s21+$0x30C0 ss:$0x41] =	vst.msk $0xffff, v4;
	v58 =	vld.idx.msk [tilespmem:v0+s24+$0x420 ss:$0x1], $0xffff  }
0x14: {  	[tilespmem:s21+$0x34D0 ss:$0x41] =	vst.msk $0xffff, v5;
	v59 =	vld.idx.msk [tilespmem:v0+s24+$0x430 ss:$0x1], $0xffff  }
0x15: {  	s27 =	sshra.s32 s22, $0x2;
	[tilespmem:s21+$0x38E0 ss:$0x41] =	vst.msk $0xffff, v6;
	v60 =	vld.idx.msk [tilespmem:v0+s24+$0x440 ss:$0x1], $0xffff  }
0x16: {  	s25 =	sand.u32 $0x3B00, s24;
	s19 =	sadd.s32 s27, s20;
	v61 =	vld.idx.msk [tilespmem:v0+s24+$0x450 ss:$0x1], $0xffff;
	[tilespmem:s21+$0x3CF0 ss:$0x41] =	vst.msk $0xffff, v47  }
0x17: {  	s23 =	sand.u32 $0x80, s23;
	v62 =	vld.idx.msk [tilespmem:v0+s24+$0x460 ss:$0x1], $0xffff;
	s18 =	sadd.s32 s25, s18;
	[tilespmem:s19+$0x2490 ss:$0x41] =	vst.msk $0xffff, v57  }
0x18: {  	v63 =	vld.idx.msk [tilespmem:v0+s24+$0x470 ss:$0x1], $0xffff;
	s18 =	sadd.s32 s23, s18;
	[tilespmem:s19+$0x28A0 ss:$0x41] =	vst.msk $0xffff, v58  }
0x19: {  	v48 =	vld [tilespmem:s18+$0x400];
	[tilespmem:s19+$0x2CB0 ss:$0x41] =	vst.msk $0xffff, v59  }
0x1a: {  	v49 =	vld [tilespmem:s18+$0x0];
	[tilespmem:s19+$0x30C0 ss:$0x41] =	vst.msk $0xffff, v60  }
0x1b: {  	v50 =	vld [tilespmem:s18+$0x10];
	[tilespmem:s19+$0x34D0 ss:$0x41] =	vst.msk $0xffff, v61  }
0x1c: {  	v51 =	vld [tilespmem:s18+$0x20];
	[tilespmem:s19+$0x38E0 ss:$0x41] =	vst.msk $0xffff, v62  }
0x1d: {  	v52 =	vld [tilespmem:s18+$0x30];
	[tilespmem:s19+$0x3CF0 ss:$0x41] =	vst.msk $0xffff, v63  }
0x1e: {  	v53 =	vld [tilespmem:s18+$0x40];
	[tilespmem:s19+$0x2080 ss:$0x41] =	vst.msk $0xffff, v48  }
0x1f: {  	v54 =	vld [tilespmem:s18+$0x50];
	[tilespmem:s19+$0x0 ss:$0x41] =	vst.msk $0xffff, v49  }
0x20: {  	s16 =	sshll.u32 s16, $0x7;
	s28 =	sshll.u32 s14, $0x3;
	v55 =	vld [tilespmem:s18+$0x60];
	[tilespmem:s19+$0x410 ss:$0x41] =	vst.msk $0xffff, v50  }
0x21: {  	s29 =	sand.u32 $0x3FFC00, s16;
	v56 =	vld [tilespmem:s18+$0x70];
	s18 =	sand.u32 $0x3FFC00, s28;
	[tilespmem:s19+$0x820 ss:$0x41] =	vst.msk $0xffff, v51  }
0x22: {  	s15 =	sshll.u32 s15, $0x13;
	s16 =	sand.u32 $0x380, s16;
	s18 =	sadd.s32 s18, s29;
	[tilespmem:s19+$0xC30 ss:$0x41] =	vst.msk $0xffff, v52  }
0x23: {  	s30 =	sshrl.u32 s14, $0x3;
	s31 =	sand.u32 $0x7, s14;
	s16 =	sor.u32 s16, s18;
	[tilespmem:s19+$0x1040 ss:$0x41] =	vst.msk $0xffff, v53  }
0x24: {  	s15 =	sadd.s32 s4, s15;
	s18 =	sand.u32 $0xF, s30;
	s16 =	sshrl.u32 s16, $0x3;
	[tilespmem:s19+$0x1450 ss:$0x41] =	vst.msk $0xffff, v54  }
0x25: {  	s14 =	sshll.u32 s31, $0x12;
	s15 =	sadd.s32 s18, s15;
	s16 =	sand.u32 $0x7FFF0, s16;
	[tilespmem:s19+$0x1860 ss:$0x41] =	vst.msk $0xffff, v55  }
0x26: {  	s14 =	sor.u32 $0x40, s14;
	[tilespmem:s19+$0x1C70 ss:$0x41] =	vst.msk $0xffff, v56;
	s15 =	sadd.s32 s16, s15  }
0x27: {  	[hbm4b:s15+s14] =	stream.strided.scatter [tilespmem:s17], [sflag:$0x2], $0x4000, s9, s14, $0x18;
	[tilespmem:$0x10200] =	vst v63  }
.LBB1_5:
0x28: {  	s17 =	sadd.s32 $0x800, s10  }
0x29: {  	s14 =	sadd.s32 $0x40, s11;
	s18 =	smov.u32 s11;
	p2 =	sgt.s32 s17, $0x7FFF  }
0x2a: {  	s18 =	smov.u32 @p2 s14  }
0x2b: {  	s20 =	smov.u32 s12;
	s14 =	sadd.s32 $0x4, s12;
	p3 =	sgt.s32 s18, $0x3F  }
0x2c: {  	s20 =	smov.u32 @p3 s14  }
0x2d: {  	s17 =	smov.u32 @p2 s3;
	p2 =	sgt.s32 s20, $0x3  }
0x2e: {  	p1 =	slt.u32 s13, $0x2;
	s20 =	smov.u32 @p2 s5;
	p2 =	sne.s32 s13, s8  }
.Ltmp1:
0x2f: {  	s19 =	simm.s32 @!p1 $0x2;
	(pc) =	sbr.rel @!p2 .LBB1_6-.Ltmp1, $4  }
0x30: {  	s16 =	smov.u32 s10;
	s15 =	smov.u32 s12;
	_ =	swait.ge @!p1 [sflag:s19], $0x4000  }
0x31: {  	p0 =	por !p0, !p0;
	[sflag:s19] =	ssyncset.done @!p1 $0x0;
	s10 =	smov.u32 s17  }
0x32: {  	s18 =	simm.s32 @p3 $0x0;
	s14 =	smov.u32 s11;
	[sflag:s19] =	ssyncadd.s32 @!p1 $0xFFFFC000  }
0x33: {  	s11 =	smov.u32 s18;
	s13 =	sadd.s32 $0x1, s13;
	s12 =	smov.u32 s20  }
.LBB1_1:
0x34: {  	p1 =	sge.u32 s13, s7;
	s31 =	sadd.s32 $0xFFFFFFFF, s13  }
0x35: {  	s17 =	sxor.u32 @!p1 $0xFFFFFFFF, s13;
	s18 =	sand.u32 @!p1 $0x78, s10;
	s19 =	sshll.u32 @!p1 s11, $0xF  }
0x36: {  	s20 =	sshll.u32 @!p1 s11, $0x7;
	s21 =	sshll.u32 @!p1 s10, $0x3;
	s17 =	sshll.u32 @!p1 s17, $0xE  }
0x37: {  	s19 =	sand.u32 @!p1 $0x1C0000, s19;
	s20 =	sand.u32 @!p1 $0x380, s20;
	s17 =	sand.u32 @!p1 $0x4000, s17  }
0x38: {  	s19 =	sadd.s32 @!p1 s19, s21;
	s21 =	sand.u32 @!p1 $0x7C00, s21;
	s18 =	sor.u32 @!p1 s20, s18  }
0x39: {  	s20 =	sshll.u32 @!p1 s12, $0x12;
	s18 =	sor.u32 @!p1 s21, s18;
	s19 =	sshrl.u32 @!p1 s19, $0x3  }
0x3a: {  	s20 =	sadd.s32 @!p1 s2, s20;
	s21 =	sand.u32 @!p1 $0x7, s10;
	s19 =	sand.u32 @!p1 $0x3F000, s19  }
0x3b: {  	s18 =	sshrl.u32 @!p1 s18, $0x3;
	s19 =	sadd.s32 @!p1 s19, s20;
	s20 =	sshll.u32 @!p1 s21, $0x12  }
0x3c: {  	s18 =	sadd.s32 @!p1 s18, s19;
	s19 =	sor.u32 @!p1 $0x800, s20;
	s20 =	simm.s32 @!p1 $0x40000  }
0x3d: {  	[tilespmem:s17], [sflag:$0x1] =	stream.strided.gather @!p1 [hbm4b:s18+s19], $0x4000, s20, s19, $0x38;
	[tilespmem:$0x10200] =	vst v63  }
0x3e: {  	p1 =	sge.u32 s31, s7  }
.Ltmp2:
0x3f: {  	_ = 	snop;
	(pc) =	sbr.rel @p1 .LBB1_5-.Ltmp2, $1  }
0x40: {  	_ =	sdelay $0x3  }
0x41: {  	s20 =	simm.s32 $0x0  }
0x42: {  	s19 =	sand.u32 $0x3800, s20;
	s21 =	sand.u32 $0x380, s20  }
0x43: {  	s17 =	sand.u32 $0x1, s13;
	s19 =	sor.u32 s21, s19  }
0x44: {  	_ =	swait.ge [sflag:s6], $0x4000;
	s18 =	sshll.u32 s17, $0xE;
	s21 =	sand.u32 $0x3B00, s19  }
0x45: {  	[sflag:s6] =	ssyncset.done $0x0;
	s20 =	sand.u32 $0x80, s20;
	s21 =	sadd.s32 s21, s18  }
0x46: {  	[sflag:s6] =	ssyncadd.s32 $0xFFFFC000;
	s23 =	sadd.s32 s20, s21  }
0x47: {  	v4 =	vld [tilespmem:s23+$0x400]  }
0x48: {  	s22 =	simm.s32 $0x1;
	v5 =	vld [tilespmem:s23+$0x0]  }
0x49: {  	s22 =	simm.s32 @!p0 $0x0;
	v6 =	vld [tilespmem:s23+$0x10]  }
0x4a: {  	v0 =	vmov s18;
	s31 =	smul.u32 $0x10400, s22;
	v7 =	vld [tilespmem:s23+$0x20]  }
0x4b: {  	v9 =	vld [tilespmem:s23+$0x30]  }
0x4c: {  	s20 =	sshrl.u32 s31, $0x2;
	v10 =	vld [tilespmem:s23+$0x40]  }
0x4d: {  	s20 =	sor.u32 $0x8000, s20;
	v11 =	vld [tilespmem:s23+$0x50]  }
0x4e: {  	v8 =	vld [tilespmem:s23+$0x60];
	s21 =	sadd.s32 $0x0, s20  }
0x4f: {  	v1 =	vld.idx.msk [tilespmem:v0+s19+$0x410 ss:$0x1], $0xffff;
	[tilespmem:s21+$0x2080 ss:$0x41] =	vst.msk $0xffff, v4  }
0x50: {  	v2 =	vld.idx.msk [tilespmem:v0+s19+$0x420 ss:$0x1], $0xffff;
	[tilespmem:s21+$0x0 ss:$0x41] =	vst.msk $0xffff, v5  }
0x51: {  	v3 =	vld.idx.msk [tilespmem:v0+s19+$0x430 ss:$0x1], $0xffff;
	[tilespmem:s21+$0x410 ss:$0x41] =	vst.msk $0xffff, v6  }
0x52: {  	s17 =	smul.u32 $0x10400, s17;
	[tilespmem:s21+$0x820 ss:$0x41] =	vst.msk $0xffff, v7;
	v7 =	vld [tilespmem:s23+$0x70]  }
0x53: {  	s24 =	simm.s32 $0x100;
	s25 =	simm.s32 $0x8;
	[tilespmem:s21+$0xC30 ss:$0x41] =	vst.msk $0xffff, v9;
	v4 =	vld.idx.msk [tilespmem:v0+s19+$0x440 ss:$0x1], $0xffff  }
0x54: {  	s26 =	sand.u32 $0x3800, s24;
	s17 =	sshrl.u32 s17, $0x2;
	[tilespmem:s21+$0x1040 ss:$0x41] =	vst.msk $0xffff, v10;
	v5 =	vld.idx.msk [tilespmem:v0+s19+$0x450 ss:$0x1], $0xffff;
	s23 =	simm.s32 $0x80  }
0x55: {  	s22 =	simm.s32 $0x4;
	s17 =	sor.u32 $0x8000, s17;
	[tilespmem:s21+$0x1450 ss:$0x41] =	vst.msk $0xffff, v11;
	v6 =	vld.idx.msk [tilespmem:v0+s19+$0x460 ss:$0x1], $0xffff;
	s27 =	sand.u32 $0x380, s23  }
.LBB1_3:
0x56: {  	p1 =	sne.s32 s25, $0xFC;
	[tilespmem:s21+$0x1860 ss:$0x41] =	vst.msk $0xffff, v8;
	v8 =	vld.idx.msk [tilespmem:v0+s19+$0x470 ss:$0x1], $0xffff;
	s19 =	sor.u32 s27, s26  }
0x57: {  	s26 =	sand.u32 $0x3B00, s19;
	v9 =	vld.idx.msk [tilespmem:v0+s19+$0x410 ss:$0x1], $0xffff;
	[tilespmem:s21+$0x1C70 ss:$0x41] =	vst.msk $0xffff, v7  }
0x58: {  	s27 =	sand.u32 $0x80, s23;
	s26 =	sadd.s32 s26, s18;
	v7 =	vld.idx.msk [tilespmem:v0+s19+$0x420 ss:$0x1], $0xffff;
	[tilespmem:s21+$0x2490 ss:$0x41] =	vst.msk $0xffff, v1  }
0x59: {  	s26 =	sadd.s32 s27, s26;
	v10 =	vld.idx.msk [tilespmem:v0+s19+$0x430 ss:$0x1], $0xffff;
	[tilespmem:s21+$0x28A0 ss:$0x41] =	vst.msk $0xffff, v2  }
0x5a: {  	v11 =	vld [tilespmem:s26+$0x400];
	[tilespmem:s21+$0x2CB0 ss:$0x41] =	vst.msk $0xffff, v3  }
0x5b: {  	v12 =	vld [tilespmem:s26+$0x0];
	[tilespmem:s21+$0x30C0 ss:$0x41] =	vst.msk $0xffff, v4  }
0x5c: {  	v4 =	vld [tilespmem:s26+$0x10];
	[tilespmem:s21+$0x34D0 ss:$0x41] =	vst.msk $0xffff, v5  }
0x5d: {  	s27 =	sshra.s32 s22, $0x2;
	s22 =	smov.u32 s25;
	v1 =	vmov v9;
	v5 =	vld [tilespmem:s26+$0x20];
	[tilespmem:s21+$0x38E0 ss:$0x41] =	vst.msk $0xffff, v6  }
0x5e: {  	v2 =	vmov v7;
	v6 =	vld [tilespmem:s26+$0x30];
	[tilespmem:s21+$0x3CF0 ss:$0x41] =	vst.msk $0xffff, v8;
	s21 =	sadd.s32 s27, s20  }
0x5f: {  	v3 =	vmov v10;
	v9 =	vld [tilespmem:s26+$0x40];
	[tilespmem:s21+$0x2080 ss:$0x41] =	vst.msk $0xffff, v11  }
0x60: {  	[tilespmem:s21+$0x0 ss:$0x41] =	vst.msk $0xffff, v12;
	v10 =	vld [tilespmem:s26+$0x50]  }
.Ltmp3:
0x61: {  	[tilespmem:s21+$0x410 ss:$0x41] =	vst.msk $0xffff, v4;
	v8 =	vld [tilespmem:s26+$0x60];
	(pc) =	sbr.rel @p1 .LBB1_3-.Ltmp3, $4  }
0x62: {  	[tilespmem:s21+$0x820 ss:$0x41] =	vst.msk $0xffff, v5;
	v7 =	vld [tilespmem:s26+$0x70]  }
0x63: {  	[tilespmem:s21+$0xC30 ss:$0x41] =	vst.msk $0xffff, v6;
	v4 =	vld.idx.msk [tilespmem:v0+s19+$0x440 ss:$0x1], $0xffff  }
0x64: {  	s23 =	sadd.s32 $0x80, s23;
	s24 =	sadd.s32 $0x100, s24;
	[tilespmem:s21+$0x1040 ss:$0x41] =	vst.msk $0xffff, v9;
	v5 =	vld.idx.msk [tilespmem:v0+s19+$0x450 ss:$0x1], $0xffff  }
0x65: {  	s25 =	sadd.s32 $0x4, s25;
	s27 =	sand.u32 $0x380, s23;
	s26 =	sand.u32 $0x3800, s24;
	[tilespmem:s21+$0x1450 ss:$0x41] =	vst.msk $0xffff, v10;
	v6 =	vld.idx.msk [tilespmem:v0+s19+$0x460 ss:$0x1], $0xffff  }
.Ltmp4:
0x66: {  	_ = 	snop;
	(pc) =	sbr.rel .LBB1_4-.Ltmp4, $1  }
0x67: {  	_ =	sdelay $0x3  }
.LBB1_6:
0x68: {  	_ =	sfence.sel $0x180000  }
0x69: {  	s2 =	simm.s32 $0x1;
	[bflag:$0x0] =	sbarrier.arrive $0xFFFF  }
0x6a: {  	s31 =	simm.s32 $0x2;
	[sflag:s2] =	ssyncpa.u1 $0x1  }
0x6b: {  	[sflag:s31] =	ssyncpa.u1 $0x1  }
0x6c: {  	p0 =	sne.s32 s0, $0x0;
	_ =	strace $0x90000047  }
0x6d: {  	s0 =	sadd.s32 @!p0 $0x100000, s1;
	[bflag:$0x2] =	sbarrier.arrive $0xFFFF  }
0x6e: {  	[sflag:s0] =	ssyncadd.tile.s32 @!p0 $0x1;
	_ =	shalt  }
.Lfunc_end1:
_tile_overlayer_lowered:
.L_overlay_start_2:
0x6f: {  	(tag) =	ssettag $0x2  }
0x70: {  	s0 =	rddreg [dreg:$0x0];
	s2 =	stileid.u32  }
0x71: {  	s1 =	rddreg [dreg:$0x1];
	p0 =	sne.s32 s2, $0x0  }
0x72: {  	s3 =	rddreg [dreg:$0x2];
	[bflag:$0x3] =	sbarrier.arrive $0xFFFF;
	s2 =	simm.s32 @!p0 $0x1C01  }
0x73: {  	[timem:s3], [sflag:s2] =	dma.local @!p0 [hbm:s0], s1  }
0x74: {  	s0 =	simm.s32 @!p0 $0x1  }
0x75: {  	_ =	swait.ge @!p0 [sflag:s0], s1  }
0x76: {  	s1 =	ssub.s32 @!p0 $0x0, s1;
	[sflag:s0] =	ssyncset.done @!p0 $0x0  }
0x77: {  	[sflag:s0] =	ssyncadd.s32 @!p0 s1  }
0x78: {  	[bflag:$0x3] =	sbarrier.arrive $0xFFFF  }
0x79: {  	_ =	shalt  }

</sc_bundles>
